<compile_context>
chip_gen: v7x
topology: tpu7x:2x2x1
jax: 0.10.2.dev20260603
libtpu: 0.0.44.dev20260713+nightly
codegen_flags: <defaults>
</compile_context>

<pallas_src>
import jax
import jax.numpy as jnp
from jax import lax
from jax.experimental import pallas as pl
from jax.experimental.pallas import tpu as pltpu
from jax.experimental.pallas import tpu_sc as plsc

N_ATOMS = 6_400_000
N_SEG = 100_000
NC = 2
NS = 16
NW = NC * NS
SPT = N_SEG // NW
SPT_PAD = 3200
B = 12800
NB = N_ATOMS // B
DPAD = 4096
CH = B // 16
NBUF = 2
I32_MAX = 2147483647


def _lower_bound(d_ref, target, iota):
    pos = iota * 256 + 255
    v = plsc.load_gather(d_ref, [pos])
    base = jnp.sum(jnp.where(v < target, 1, 0)) * 256
    pos = base + iota * 16 + 15
    v = plsc.load_gather(d_ref, [pos])
    base = base + jnp.sum(jnp.where(v < target, 1, 0)) * 16
    pos = base + iota
    v = plsc.load_gather(d_ref, [pos])
    return base + jnp.sum(jnp.where(v < target, 1, 0))


def _body(se_hbm, batch_hbm, mean_hbm, std_hbm, out_hbm,
          idxd, dcoarse, ibuf0, ibuf1, vbuf0, vbuf1, acc, ms, sems):
    wid = lax.axis_index("s") * NC + lax.axis_index("c")
    iota = lax.iota(jnp.int32, 16)
    ip1 = jnp.minimum(iota + 1, 15)
    m15 = iota == 15
    mlt15 = iota < 15
    ibufs = (ibuf0, ibuf1)
    vbufs = (vbuf0, vbuf1)

    pltpu.sync_copy(mean_hbm, ms.at[pl.ds(0, 16)])
    pltpu.sync_copy(std_hbm, ms.at[pl.ds(16, 16)])
    meanv = ms[pl.ds(0, 16)]
    stdv = ms[pl.ds(16, 16)]

    @pl.loop(0, (NB + 15) // 16)
    def _(k):
        base = k * 16
        idxd[pl.ds(base, 16)] = jnp.minimum(
            (base + iota) * B + (B - 1), N_ATOMS - 1)

    pstart = (NB // 16) * 16

    @pl.loop(0, (DPAD - pstart) // 16)
    def _(k):
        dcoarse[pl.ds(pstart + k * 16, 16)] = jnp.full(
            (16,), I32_MAX, jnp.int32)

    pltpu.async_copy(batch_hbm.at[idxd.at[pl.ds(0, NB)]],
                     dcoarse.at[pl.ds(0, NB)], sems.at[0, 0]).wait()

    @pl.loop(0, SPT_PAD // 16)
    def _(k):
        acc[pl.ds(k * 16, 16)] = jnp.zeros((16,), jnp.float32)

    seg_base = wid * SPT
    jlo = _lower_bound(dcoarse, seg_base, iota)
    p = _lower_bound(dcoarse, seg_base + SPT, iota)
    jlo = jnp.minimum(jlo, NB - 1)
    jhi = jnp.minimum(p + 1, NB)

    for k in range(NBUF):
        @pl.when(jlo + k < jhi)
        def _():
            pltpu.async_copy(batch_hbm.at[pl.ds((jlo + k) * B, B)],
                             ibufs[k], sems.at[k, 0])
            pltpu.async_copy(se_hbm.at[pl.ds((jlo + k) * B, B)],
                             vbufs[k], sems.at[k, 1])

    @pl.loop(jlo, jhi)
    def _(g):
        slot = lax.rem(g - jlo, NBUF)
        for b in range(NBUF):
            @pl.when(slot == b)
            def _():
                pltpu.make_async_copy(
                    batch_hbm.at[pl.ds(g * B, B)], ibufs[b],
                    sems.at[b, 0]).wait()
                pltpu.make_async_copy(
                    se_hbm.at[pl.ds(g * B, B)], vbufs[b],
                    sems.at[b, 1]).wait()

                @plsc.parallel_loop(0, CH, step=1, unroll=16)
                def _(cix):
                    off = cix * 16
                    iv = ibufs[b][pl.ds(off, 16)]
                    vv = vbufs[b][pl.ds(off, 16)]
                    loc = iv - seg_base
                    locn = loc.at[ip1].get(mode="promise_in_bounds")
                    sv = vv * stdv + meanv
                    c = plsc.cumsum(sv)
                    is_end = (loc != locn) | m15
                    inb = plsc.bitcast(loc, jnp.uint32) < jnp.uint32(SPT_PAD)
                    inbn = plsc.bitcast(locn, jnp.uint32) < jnp.uint32(SPT_PAD)
                    m1 = is_end & inb
                    m2 = is_end & mlt15 & inbn
                    plsc.addupdate_scatter(acc, [loc], c, mask=m1)
                    plsc.addupdate_scatter(acc, [locn], -c, mask=m2)

                @pl.when(g + NBUF < jhi)
                def _():
                    pltpu.async_copy(
                        batch_hbm.at[pl.ds((g + NBUF) * B, B)],
                        ibufs[b], sems.at[b, 0])
                    pltpu.async_copy(
                        se_hbm.at[pl.ds((g + NBUF) * B, B)],
                        vbufs[b], sems.at[b, 1])

    pltpu.sync_copy(acc, out_hbm.at[wid])


@jax.jit
def _run(site_energy, batch, mean16, std16):
    mesh = plsc.VectorSubcoreMesh(core_axis_name="c", subcore_axis_name="s")
    fn = pl.kernel(
        _body,
        out_type=jax.ShapeDtypeStruct((NW, SPT_PAD), jnp.float32),
        mesh=mesh,
        compiler_params=pltpu.CompilerParams(needs_layout_passes=False),
        scratch_types=[
            pltpu.VMEM(((NB + 15) // 16 * 16,), jnp.int32),
            pltpu.VMEM((DPAD,), jnp.int32),
            pltpu.VMEM((B,), jnp.int32),
            pltpu.VMEM((B,), jnp.int32),
            pltpu.VMEM((B,), jnp.float32),
            pltpu.VMEM((B,), jnp.float32),
            pltpu.VMEM((SPT_PAD,), jnp.float32),
            pltpu.VMEM((32,), jnp.float32),
            pltpu.SemaphoreType.DMA((NBUF, 2)),
        ],
    )
    padded = fn(site_energy, batch, mean16, std16)
    return padded[:, :SPT].reshape(-1)


def kernel(site_energy, batch, mean, std):
    batch = batch.astype(jnp.int32)
    mean16 = jnp.full((16,), mean, jnp.float32)
    std16 = jnp.full((16,), std, jnp.float32)
    return _run(site_energy, batch, mean16, std16)

# --- scband reference (transcript-rebuilt; emitter-appended) ---
"""Pipeline reference for scband-atomic-module-67628555043449 (READ-ONLY COPY).

The authoritative reference and input builder live on the scoring server;
editing this copy changes nothing except your own understanding.
"""

import jax, jax.numpy as jnp
import numpy as np

NUM_SEGMENTS = 100000
N_ATOMS = 6400000


def setup_inputs(seed: int = 0) -> dict:
    key = jax.random.key(seed)
    k1, k2 = jax.random.split(key)
    site_energy = jax.random.normal(k1, (N_ATOMS,), dtype=jnp.float32)
    batch = jnp.sort(jax.random.randint(k2, (N_ATOMS,), 0, NUM_SEGMENTS, dtype=jnp.int64))
    mean = jnp.asarray(0.0, dtype=jnp.float32)
    std = jnp.asarray(1.0, dtype=jnp.float32)
    return {"site_energy": site_energy, "batch": batch, "mean": mean, "std": std}


def reference(site_energy, batch, mean, std):
    # AtomicModule.forward with properties=['energy']:
    #   site_energy = calculate(batch_data)['site_energy'] * std + mean
    #   energy_p = _scatter_add(site_energy, batch_data['batch'])
    # calculate() is abstract; the per-atom site energies are supplied directly.
    se = site_energy * std + mean
    energy_p = jax.ops.segment_sum(se, batch, num_segments=NUM_SEGMENTS)
    return energy_p

if __name__ == "__main__":
    import jax
    _d = setup_inputs()
    print(jax.jit(kernel)(*tuple(_d.values())))

</pallas_src>

<mosaic_0001>
#map = affine_map<(d0, d1) -> (0)>
#map1 = affine_map<(d0, d1) -> (0, 0)>
module attributes {stable_mosaic.version = 14 : i64} {
  func.func @_body(%arg0: i32, %arg1: i32, %arg2: memref<6400000xf32, #tpu.memory_space<hbm>>, %arg3: memref<6400000xi32, #tpu.memory_space<hbm>>, %arg4: memref<16xf32, #tpu.memory_space<hbm>>, %arg5: memref<16xf32, #tpu.memory_space<hbm>>, %arg6: memref<32x3200xf32, #tpu.memory_space<hbm>>, %arg7: memref<512xi32, #tpu.memory_space<vmem>>, %arg8: memref<4096xi32, #tpu.memory_space<vmem>>, %arg9: memref<12800xi32, #tpu.memory_space<vmem>>, %arg10: memref<12800xi32, #tpu.memory_space<vmem>>, %arg11: memref<12800xf32, #tpu.memory_space<vmem>>, %arg12: memref<12800xf32, #tpu.memory_space<vmem>>, %arg13: memref<3200xf32, #tpu.memory_space<vmem>>, %arg14: memref<32xf32, #tpu.memory_space<vmem>>, %arg15: memref<2x2x!tpu.dma_semaphore, #tpu.memory_space<semaphore_mem>>) attributes {dimension_semantics = [#tpu.dimension_semantics<core_parallel>, #tpu.dimension_semantics<subcore_parallel>], iteration_bounds = array<i64: 2, 16>, scalar_prefetch = 0 : i64, scratch_operands = 9 : i64, tpu.core_type = #tpu.core_type<sc_vector_subcore>, window_params = [{transform_indices = #map}, {transform_indices = #map}, {transform_indices = #map}, {transform_indices = #map}, {transform_indices = #map1}]} {
    %mul3A = arith.constant 2 : i32
    %mul3A_0 = arith.muli %arg1, %mul3A : i32
    %add3A = arith.addi %mul3A_0, %arg0 : i32
    %iota3A = tpu.iota {dimensions = array<i32: 0>} : vector<16xi32>
    %add3A_1 = arith.constant 1 : i32
    %add3A_2 = vector.broadcast %add3A_1 : i32 to vector<16xi32>
    %add3A_3 = arith.addi %iota3A, %add3A_2 : vector<16xi32>
    %min3A = arith.constant 15 : i32
    %min3A_4 = vector.broadcast %min3A : i32 to vector<16xi32>
    %min3A_5 = arith.minsi %add3A_3, %min3A_4 : vector<16xi32>
    %eq3A = arith.constant 15 : i32
    %eq3A_6 = vector.broadcast %eq3A : i32 to vector<16xi32>
    %eq3A_7 = arith.cmpi eq, %iota3A, %eq3A_6 : vector<16xi32>
    %lt3A = arith.constant 15 : i32
    %lt3A_8 = vector.broadcast %lt3A : i32 to vector<16xi32>
    %lt3A_9 = arith.cmpi slt, %iota3A, %lt3A_8 : vector<16xi32>
    "tpu.region"() ({
      %run_scoped3A = tpu.sem_alloc : memref<!tpu.dma_semaphore, #tpu.memory_space<semaphore_mem>>
      %dma_start3A_190 = arith.constant 0 : i32
      %dma_start3A_191 = tpu.memref_slice %arg14[%dma_start3A_190] : memref<32xf32, #tpu.memory_space<vmem>> -> memref<16xf32, #tpu.memory_space<vmem>>
      %dma_start3A_192 = arith.constant 0 : i32
      %dma_start3A_193 = tpu.memref_slice %arg14[%dma_start3A_192] : memref<32xf32, #tpu.memory_space<vmem>> -> memref<16xf32, #tpu.memory_space<vmem>>
      tpu.enqueue_dma source(%arg4 : memref<16xf32, #tpu.memory_space<hbm>>) target(%dma_start3A_193 : memref<16xf32, #tpu.memory_space<vmem>>) target_semaphore(%run_scoped3A : memref<!tpu.dma_semaphore, #tpu.memory_space<semaphore_mem>>)
      %dma_wait3A_194 = arith.constant 0 : i32
      %dma_wait3A_195 = tpu.memref_slice %arg14[%dma_wait3A_194] : memref<32xf32, #tpu.memory_space<vmem>> -> memref<16xf32, #tpu.memory_space<vmem>>
      %dma_wait3A_196 = arith.constant 0 : i32
      %dma_wait3A_197 = tpu.memref_slice %arg14[%dma_wait3A_196] : memref<32xf32, #tpu.memory_space<vmem>> -> memref<16xf32, #tpu.memory_space<vmem>>
      tpu.wait_dma2 semaphore(%run_scoped3A : memref<!tpu.dma_semaphore, #tpu.memory_space<semaphore_mem>>) src(%arg4 : memref<16xf32, #tpu.memory_space<hbm>>) dst(%dma_wait3A_197 : memref<16xf32, #tpu.memory_space<vmem>>)
      tpu.yield
    }) : () -> ()
    "tpu.region"() ({
      %run_scoped3A = tpu.sem_alloc : memref<!tpu.dma_semaphore, #tpu.memory_space<semaphore_mem>>
      %dma_start3A_190 = arith.constant 16 : i32
      %dma_start3A_191 = tpu.memref_slice %arg14[%dma_start3A_190] : memref<32xf32, #tpu.memory_space<vmem>> -> memref<16xf32, #tpu.memory_space<vmem>>
      %dma_start3A_192 = arith.constant 16 : i32
      %dma_start3A_193 = tpu.memref_slice %arg14[%dma_start3A_192] : memref<32xf32, #tpu.memory_space<vmem>> -> memref<16xf32, #tpu.memory_space<vmem>>
      tpu.enqueue_dma source(%arg5 : memref<16xf32, #tpu.memory_space<hbm>>) target(%dma_start3A_193 : memref<16xf32, #tpu.memory_space<vmem>>) target_semaphore(%run_scoped3A : memref<!tpu.dma_semaphore, #tpu.memory_space<semaphore_mem>>)
      %dma_wait3A_194 = arith.constant 16 : i32
      %dma_wait3A_195 = tpu.memref_slice %arg14[%dma_wait3A_194] : memref<32xf32, #tpu.memory_space<vmem>> -> memref<16xf32, #tpu.memory_space<vmem>>
      %dma_wait3A_196 = arith.constant 16 : i32
      %dma_wait3A_197 = tpu.memref_slice %arg14[%dma_wait3A_196] : memref<32xf32, #tpu.memory_space<vmem>> -> memref<16xf32, #tpu.memory_space<vmem>>
      tpu.wait_dma2 semaphore(%run_scoped3A : memref<!tpu.dma_semaphore, #tpu.memory_space<semaphore_mem>>) src(%arg5 : memref<16xf32, #tpu.memory_space<hbm>>) dst(%dma_wait3A_197 : memref<16xf32, #tpu.memory_space<vmem>>)
      tpu.yield
    }) : () -> ()
    %get3A = arith.constant 0 : index
    %get3A_10 = tpu.vector_load %arg14[%get3A] {strides = array<i32>} : memref<32xf32, #tpu.memory_space<vmem>>, vector<16xf32>,
    %get3A_11 = arith.constant 16 : index
    %get3A_12 = tpu.vector_load %arg14[%get3A_11] {strides = array<i32>} : memref<32xf32, #tpu.memory_space<vmem>>, vector<16xf32>,
    %scan3A = arith.constant 0 : i32
    %scan3A_13 = arith.constant 32 : i32
    %scan3A_14 = arith.addi %scan3A, %scan3A_13 : i32
    %scan3A_15 = arith.constant 1 : i32
    scf.for %scan3A_190 = %scan3A to %scan3A_14 step %scan3A_15  : i32 {
      %mul3A_191 = arith.constant 1 : i32
      %mul3A_192 = arith.muli %scan3A_190, %mul3A_191 : i32
      %add3A_193 = arith.constant 0 : i32
      %add3A_194 = arith.addi %add3A_193, %mul3A_192 : i32
      %mul3A_195 = arith.constant 16 : i32
      %mul3A_196 = arith.muli %add3A_194, %mul3A_195 : i32
      %add3A_197 = vector.broadcast %mul3A_196 : i32 to vector<16xi32>
      %add3A_198 = arith.addi %add3A_197, %iota3A : vector<16xi32>
      %mul3A_199 = arith.constant 12800 : i32
      %mul3A_200 = vector.broadcast %mul3A_199 : i32 to vector<16xi32>
      %mul3A_201 = arith.muli %add3A_198, %mul3A_200 : vector<16xi32>
      %add3A_202 = arith.constant 12799 : i32
      %add3A_203 = vector.broadcast %add3A_202 : i32 to vector<16xi32>
      %add3A_204 = arith.addi %mul3A_201, %add3A_203 : vector<16xi32>
      %min3A_205 = arith.constant 6399999 : i32
      %min3A_206 = vector.broadcast %min3A_205 : i32 to vector<16xi32>
      %min3A_207 = arith.minsi %add3A_204, %min3A_206 : vector<16xi32>
      %swap3A = arith.index_cast %mul3A_196 : i32 to index
      %swap3A_208 = tpu.vector_load %arg7[%swap3A] {strides = array<i32>} : memref<512xi32, #tpu.memory_space<vmem>>, vector<16xi32>,
      tpu.vector_store %arg7[%swap3A], %min3A_207 {strides = array<i32>} : memref<512xi32, #tpu.memory_space<vmem>>, vector<16xi32>,
    }
    %scan3A_16 = arith.constant 32 : i32
    %scan3A_17 = arith.constant 0 : i32
    %scan3A_18 = arith.constant 225 : i32
    %scan3A_19 = arith.addi %scan3A_17, %scan3A_18 : i32
    %scan3A_20 = arith.constant 1 : i32
    scf.for %scan3A_190 = %scan3A_17 to %scan3A_19 step %scan3A_20  : i32 {
      %mul3A_191 = arith.constant 1 : i32
      %mul3A_192 = arith.muli %scan3A_190, %mul3A_191 : i32
      %add3A_193 = arith.constant 0 : i32
      %add3A_194 = arith.addi %add3A_193, %mul3A_192 : i32
      %broadcast_in_dim3A_195 = arith.constant 2147483647 : i32
      %broadcast_in_dim3A_196 = vector.broadcast %broadcast_in_dim3A_195 : i32 to vector<16xi32>
      %mul3A_197 = arith.constant 16 : i32
      %mul3A_198 = arith.muli %add3A_194, %mul3A_197 : i32
      %add3A_199 = arith.constant 496 : i32
      %add3A_200 = arith.addi %add3A_199, %mul3A_198 : i32
      %swap3A = arith.index_cast %add3A_200 : i32 to index
      %swap3A_201 = tpu.vector_load %arg8[%swap3A] {strides = array<i32>} : memref<4096xi32, #tpu.memory_space<vmem>>, vector<16xi32>,
      tpu.vector_store %arg8[%swap3A], %broadcast_in_dim3A_196 {strides = array<i32>} : memref<4096xi32, #tpu.memory_space<vmem>>, vector<16xi32>,
    }
    %scan3A_21 = arith.constant 225 : i32
    %dma_start3A = arith.constant 0 : i32
    %dma_start3A_22 = arith.constant 0 : i32
    %dma_start3A_23 = arith.constant 0 : i32
    %dma_start3A_24 = tpu.memref_slice %arg8[%dma_start3A_23] : memref<4096xi32, #tpu.memory_space<vmem>> -> memref<500xi32, #tpu.memory_space<vmem>>
    %dma_start3A_25 = arith.constant 0 : i32
    %dma_start3A_26 = tpu.memref_slice %arg7[%dma_start3A_25] : memref<512xi32, #tpu.memory_space<vmem>> -> memref<500xi32, #tpu.memory_space<vmem>>
    %dma_start3A_27 = arith.constant 0 : i32
    %dma_start3A_28 = tpu.memref_slice %arg3[%dma_start3A_27] : memref<6400000xi32, #tpu.memory_space<hbm>> -> memref<6400000xi32, #tpu.memory_space<hbm>>
    %dma_start3A_29 = tpu.memref_slice %arg15[%dma_start3A, %dma_start3A_22] : memref<2x2x!tpu.dma_semaphore, #tpu.memory_space<semaphore_mem>> -> memref<1x1x!tpu.dma_semaphore, #tpu.memory_space<semaphore_mem>>
    %dma_start3A_30 = tpu.memref_squeeze %dma_start3A_29 : memref<1x1x!tpu.dma_semaphore, #tpu.memory_space<semaphore_mem>> -> memref<!tpu.dma_semaphore, #tpu.memory_space<semaphore_mem>>
    tpu.enqueue_indirect_dma source(%dma_start3A_28 : memref<6400000xi32, #tpu.memory_space<hbm>>) target(%dma_start3A_24 : memref<500xi32, #tpu.memory_space<vmem>>) offsets(%dma_start3A_26 : memref<500xi32, #tpu.memory_space<vmem>>) semaphore(%dma_start3A_30 : memref<!tpu.dma_semaphore, #tpu.memory_space<semaphore_mem>>)
    %dma_wait3A = arith.constant 0 : i32
    %dma_wait3A_31 = arith.constant 0 : i32
    %dma_wait3A_32 = arith.constant 0 : i32
    %dma_wait3A_33 = tpu.memref_slice %arg8[%dma_wait3A_32] : memref<4096xi32, #tpu.memory_space<vmem>> -> memref<500xi32, #tpu.memory_space<vmem>>
    %dma_wait3A_34 = arith.constant 0 : i32
    %dma_wait3A_35 = tpu.memref_slice %arg7[%dma_wait3A_34] : memref<512xi32, #tpu.memory_space<vmem>> -> memref<500xi32, #tpu.memory_space<vmem>>
    %dma_wait3A_36 = arith.constant 0 : i32
    %dma_wait3A_37 = tpu.memref_slice %arg3[%dma_wait3A_36] : memref<6400000xi32, #tpu.memory_space<hbm>> -> memref<6400000xi32, #tpu.memory_space<hbm>>
    %dma_wait3A_38 = tpu.memref_slice %arg15[%dma_wait3A, %dma_wait3A_31] : memref<2x2x!tpu.dma_semaphore, #tpu.memory_space<semaphore_mem>> -> memref<1x1x!tpu.dma_semaphore, #tpu.memory_space<semaphore_mem>>
    %dma_wait3A_39 = tpu.memref_squeeze %dma_wait3A_38 : memref<1x1x!tpu.dma_semaphore, #tpu.memory_space<semaphore_mem>> -> memref<!tpu.dma_semaphore, #tpu.memory_space<semaphore_mem>>
    tpu.wait_indirect_dma semaphore(%dma_wait3A_39 : memref<!tpu.dma_semaphore, #tpu.memory_space<semaphore_mem>>) src(%dma_wait3A_37 : memref<6400000xi32, #tpu.memory_space<hbm>>) dst(%dma_wait3A_33 : memref<500xi32, #tpu.memory_space<vmem>>)
    %scan3A_40 = arith.constant 0 : i32
    %scan3A_41 = arith.constant 200 : i32
    %scan3A_42 = arith.addi %scan3A_40, %scan3A_41 : i32
    %scan3A_43 = arith.constant 1 : i32
    scf.for %scan3A_190 = %scan3A_40 to %scan3A_42 step %scan3A_43  : i32 {
      %mul3A_191 = arith.constant 1 : i32
      %mul3A_192 = arith.muli %scan3A_190, %mul3A_191 : i32
      %add3A_193 = arith.constant 0 : i32
      %add3A_194 = arith.addi %add3A_193, %mul3A_192 : i32
      %broadcast_in_dim3A_195 = arith.constant 0.000000e+00 : f32
      %broadcast_in_dim3A_196 = vector.broadcast %broadcast_in_dim3A_195 : f32 to vector<16xf32>
      %mul3A_197 = arith.constant 16 : i32
      %mul3A_198 = arith.muli %add3A_194, %mul3A_197 : i32
      %swap3A = arith.index_cast %mul3A_198 : i32 to index
      %swap3A_199 = tpu.vector_load %arg13[%swap3A] {strides = array<i32>} : memref<3200xf32, #tpu.memory_space<vmem>>, vector<16xf32>,
      tpu.vector_store %arg13[%swap3A], %broadcast_in_dim3A_196 {strides = array<i32>} : memref<3200xf32, #tpu.memory_space<vmem>>, vector<16xf32>,
    }
    %scan3A_44 = arith.constant 200 : i32
    %mul3A_45 = arith.constant 3125 : i32
    %mul3A_46 = arith.muli %add3A, %mul3A_45 : i32
    %mul3A_47 = arith.constant 256 : i32
    %mul3A_48 = vector.broadcast %mul3A_47 : i32 to vector<16xi32>
    %mul3A_49 = arith.muli %iota3A, %mul3A_48 : vector<16xi32>
    %add3A_50 = arith.constant 255 : i32
    %add3A_51 = vector.broadcast %add3A_50 : i32 to vector<16xi32>
    %add3A_52 = arith.addi %mul3A_49, %add3A_51 : vector<16xi32>
    %gather3A = tpu.vector_load_idx %arg8[%add3A_52] : memref<4096xi32, #tpu.memory_space<vmem>>[vector<16xi32>], vector<16xi32>,
    %lt3A_53 = vector.broadcast %mul3A_46 : i32 to vector<16xi32>
    %lt3A_54 = arith.cmpi slt, %gather3A, %lt3A_53 : vector<16xi32>
    %jit3A = arith.constant 1 : i32
    %jit3A_55 = arith.constant 0 : i32
    %broadcast_in_dim3A = vector.broadcast %jit3A : i32 to vector<16xi32>
    %broadcast_in_dim3A_56 = vector.broadcast %jit3A_55 : i32 to vector<16xi32>
    %select_n3A = arith.select %lt3A_54, %broadcast_in_dim3A, %broadcast_in_dim3A_56 : vector<16xi1>, vector<16xi32>
    %reduce_sum3A = arith.constant true
    %reduce_sum3A_57 = vector.broadcast %reduce_sum3A : i1 to vector<16xi1>
    %reduce_sum3A_58 = tpu.scan <sum>, %select_n3A masked %reduce_sum3A_57 : vector<16xi32>, vector<16xi1> -> vector<16xi32>
    %reduce_sum3A_59 = vector.extract %reduce_sum3A_58[15] : i32 from vector<16xi32>
    %mul3A_60 = arith.constant 256 : i32
    %mul3A_61 = arith.muli %reduce_sum3A_59, %mul3A_60 : i32
    %mul3A_62 = arith.constant 16 : i32
    %mul3A_63 = vector.broadcast %mul3A_62 : i32 to vector<16xi32>
    %mul3A_64 = arith.muli %iota3A, %mul3A_63 : vector<16xi32>
    %add3A_65 = vector.broadcast %mul3A_61 : i32 to vector<16xi32>
    %add3A_66 = arith.addi %add3A_65, %mul3A_64 : vector<16xi32>
    %add3A_67 = arith.constant 15 : i32
    %add3A_68 = vector.broadcast %add3A_67 : i32 to vector<16xi32>
    %add3A_69 = arith.addi %add3A_66, %add3A_68 : vector<16xi32>
    %gather3A_70 = tpu.vector_load_idx %arg8[%add3A_69] : memref<4096xi32, #tpu.memory_space<vmem>>[vector<16xi32>], vector<16xi32>,
    %lt3A_71 = vector.broadcast %mul3A_46 : i32 to vector<16xi32>
    %lt3A_72 = arith.cmpi slt, %gather3A_70, %lt3A_71 : vector<16xi32>
    %jit3A_73 = arith.constant 1 : i32
    %jit3A_74 = arith.constant 0 : i32
    %broadcast_in_dim3A_75 = vector.broadcast %jit3A_73 : i32 to vector<16xi32>
    %broadcast_in_dim3A_76 = vector.broadcast %jit3A_74 : i32 to vector<16xi32>
    %select_n3A_77 = arith.select %lt3A_72, %broadcast_in_dim3A_75, %broadcast_in_dim3A_76 : vector<16xi1>, vector<16xi32>
    %reduce_sum3A_78 = arith.constant true
    %reduce_sum3A_79 = vector.broadcast %reduce_sum3A_78 : i1 to vector<16xi1>
    %reduce_sum3A_80 = tpu.scan <sum>, %select_n3A_77 masked %reduce_sum3A_79 : vector<16xi32>, vector<16xi1> -> vector<16xi32>
    %reduce_sum3A_81 = vector.extract %reduce_sum3A_80[15] : i32 from vector<16xi32>
    %mul3A_82 = arith.constant 16 : i32
    %mul3A_83 = arith.muli %reduce_sum3A_81, %mul3A_82 : i32
    %add3A_84 = arith.addi %mul3A_61, %mul3A_83 : i32
    %add3A_85 = vector.broadcast %add3A_84 : i32 to vector<16xi32>
    %add3A_86 = arith.addi %add3A_85, %iota3A : vector<16xi32>
    %gather3A_87 = tpu.vector_load_idx %arg8[%add3A_86] : memref<4096xi32, #tpu.memory_space<vmem>>[vector<16xi32>], vector<16xi32>,
    %lt3A_88 = vector.broadcast %mul3A_46 : i32 to vector<16xi32>
    %lt3A_89 = arith.cmpi slt, %gather3A_87, %lt3A_88 : vector<16xi32>
    %jit3A_90 = arith.constant 1 : i32
    %jit3A_91 = arith.constant 0 : i32
    %broadcast_in_dim3A_92 = vector.broadcast %jit3A_90 : i32 to vector<16xi32>
    %broadcast_in_dim3A_93 = vector.broadcast %jit3A_91 : i32 to vector<16xi32>
    %select_n3A_94 = arith.select %lt3A_89, %broadcast_in_dim3A_92, %broadcast_in_dim3A_93 : vector<16xi1>, vector<16xi32>
    %reduce_sum3A_95 = arith.constant true
    %reduce_sum3A_96 = vector.broadcast %reduce_sum3A_95 : i1 to vector<16xi1>
    %reduce_sum3A_97 = tpu.scan <sum>, %select_n3A_94 masked %reduce_sum3A_96 : vector<16xi32>, vector<16xi1> -> vector<16xi32>
    %reduce_sum3A_98 = vector.extract %reduce_sum3A_97[15] : i32 from vector<16xi32>
    %add3A_99 = arith.addi %add3A_84, %reduce_sum3A_98 : i32
    %add3A_100 = arith.constant 3125 : i32
    %add3A_101 = arith.addi %mul3A_46, %add3A_100 : i32
    %mul3A_102 = arith.constant 256 : i32
    %mul3A_103 = vector.broadcast %mul3A_102 : i32 to vector<16xi32>
    %mul3A_104 = arith.muli %iota3A, %mul3A_103 : vector<16xi32>
    %add3A_105 = arith.constant 255 : i32
    %add3A_106 = vector.broadcast %add3A_105 : i32 to vector<16xi32>
    %add3A_107 = arith.addi %mul3A_104, %add3A_106 : vector<16xi32>
    %gather3A_108 = tpu.vector_load_idx %arg8[%add3A_107] : memref<4096xi32, #tpu.memory_space<vmem>>[vector<16xi32>], vector<16xi32>,
    %lt3A_109 = vector.broadcast %add3A_101 : i32 to vector<16xi32>
    %lt3A_110 = arith.cmpi slt, %gather3A_108, %lt3A_109 : vector<16xi32>
    %jit3A_111 = arith.constant 1 : i32
    %jit3A_112 = arith.constant 0 : i32
    %broadcast_in_dim3A_113 = vector.broadcast %jit3A_111 : i32 to vector<16xi32>
    %broadcast_in_dim3A_114 = vector.broadcast %jit3A_112 : i32 to vector<16xi32>
    %select_n3A_115 = arith.select %lt3A_110, %broadcast_in_dim3A_113, %broadcast_in_dim3A_114 : vector<16xi1>, vector<16xi32>
    %reduce_sum3A_116 = arith.constant true
    %reduce_sum3A_117 = vector.broadcast %reduce_sum3A_116 : i1 to vector<16xi1>
    %reduce_sum3A_118 = tpu.scan <sum>, %select_n3A_115 masked %reduce_sum3A_117 : vector<16xi32>, vector<16xi1> -> vector<16xi32>
    %reduce_sum3A_119 = vector.extract %reduce_sum3A_118[15] : i32 from vector<16xi32>
    %mul3A_120 = arith.constant 256 : i32
    %mul3A_121 = arith.muli %reduce_sum3A_119, %mul3A_120 : i32
    %mul3A_122 = arith.constant 16 : i32
    %mul3A_123 = vector.broadcast %mul3A_122 : i32 to vector<16xi32>
    %mul3A_124 = arith.muli %iota3A, %mul3A_123 : vector<16xi32>
    %add3A_125 = vector.broadcast %mul3A_121 : i32 to vector<16xi32>
    %add3A_126 = arith.addi %add3A_125, %mul3A_124 : vector<16xi32>
    %add3A_127 = arith.constant 15 : i32
    %add3A_128 = vector.broadcast %add3A_127 : i32 to vector<16xi32>
    %add3A_129 = arith.addi %add3A_126, %add3A_128 : vector<16xi32>
    %gather3A_130 = tpu.vector_load_idx %arg8[%add3A_129] : memref<4096xi32, #tpu.memory_space<vmem>>[vector<16xi32>], vector<16xi32>,
    %lt3A_131 = vector.broadcast %add3A_101 : i32 to vector<16xi32>
    %lt3A_132 = arith.cmpi slt, %gather3A_130, %lt3A_131 : vector<16xi32>
    %jit3A_133 = arith.constant 1 : i32
    %jit3A_134 = arith.constant 0 : i32
    %broadcast_in_dim3A_135 = vector.broadcast %jit3A_133 : i32 to vector<16xi32>
    %broadcast_in_dim3A_136 = vector.broadcast %jit3A_134 : i32 to vector<16xi32>
    %select_n3A_137 = arith.select %lt3A_132, %broadcast_in_dim3A_135, %broadcast_in_dim3A_136 : vector<16xi1>, vector<16xi32>
    %reduce_sum3A_138 = arith.constant true
    %reduce_sum3A_139 = vector.broadcast %reduce_sum3A_138 : i1 to vector<16xi1>
    %reduce_sum3A_140 = tpu.scan <sum>, %select_n3A_137 masked %reduce_sum3A_139 : vector<16xi32>, vector<16xi1> -> vector<16xi32>
    %reduce_sum3A_141 = vector.extract %reduce_sum3A_140[15] : i32 from vector<16xi32>
    %mul3A_142 = arith.constant 16 : i32
    %mul3A_143 = arith.muli %reduce_sum3A_141, %mul3A_142 : i32
    %add3A_144 = arith.addi %mul3A_121, %mul3A_143 : i32
    %add3A_145 = vector.broadcast %add3A_144 : i32 to vector<16xi32>
    %add3A_146 = arith.addi %add3A_145, %iota3A : vector<16xi32>
    %gather3A_147 = tpu.vector_load_idx %arg8[%add3A_146] : memref<4096xi32, #tpu.memory_space<vmem>>[vector<16xi32>], vector<16xi32>,
    %lt3A_148 = vector.broadcast %add3A_101 : i32 to vector<16xi32>
    %lt3A_149 = arith.cmpi slt, %gather3A_147, %lt3A_148 : vector<16xi32>
    %jit3A_150 = arith.constant 1 : i32
    %jit3A_151 = arith.constant 0 : i32
    %broadcast_in_dim3A_152 = vector.broadcast %jit3A_150 : i32 to vector<16xi32>
    %broadcast_in_dim3A_153 = vector.broadcast %jit3A_151 : i32 to vector<16xi32>
    %select_n3A_154 = arith.select %lt3A_149, %broadcast_in_dim3A_152, %broadcast_in_dim3A_153 : vector<16xi1>, vector<16xi32>
    %reduce_sum3A_155 = arith.constant true
    %reduce_sum3A_156 = vector.broadcast %reduce_sum3A_155 : i1 to vector<16xi1>
    %reduce_sum3A_157 = tpu.scan <sum>, %select_n3A_154 masked %reduce_sum3A_156 : vector<16xi32>, vector<16xi1> -> vector<16xi32>
    %reduce_sum3A_158 = vector.extract %reduce_sum3A_157[15] : i32 from vector<16xi32>
    %add3A_159 = arith.addi %add3A_144, %reduce_sum3A_158 : i32
    %min3A_160 = arith.constant 499 : i32
    %min3A_161 = arith.minsi %add3A_99, %min3A_160 : i32
    %add3A_162 = arith.constant 1 : i32
    %add3A_163 = arith.addi %add3A_159, %add3A_162 : i32
    %min3A_164 = arith.constant 500 : i32
    %min3A_165 = arith.minsi %add3A_163, %min3A_164 : i32
    %add3A_166 = arith.constant 0 : i32
    %add3A_167 = arith.addi %min3A_161, %add3A_166 : i32
    %lt3A_168 = arith.cmpi slt, %add3A_167, %min3A_165 : i32
    %convert_element_type3A = arith.extui %lt3A_168 : i1 to i32
    %cond3A = arith.constant 0 : i32
    %cond3A_169 = arith.cmpi ne, %convert_element_type3A, %cond3A : i32
    scf.if %cond3A_169 {
      %add3A_190 = arith.constant 0 : i32
      %add3A_191 = arith.addi %min3A_161, %add3A_190 : i32
      %mul3A_192 = arith.constant 12800 : i32
      %mul3A_193 = arith.muli %add3A_191, %mul3A_192 : i32
      %dma_start3A_194 = arith.constant 0 : i32
      %dma_start3A_195 = arith.constant 0 : i32
      %dma_start3A_196 = tpu.memref_slice %arg3[%mul3A_193] : memref<6400000xi32, #tpu.memory_space<hbm>> -> memref<12800xi32, #tpu.memory_space<hbm>>
      %dma_start3A_197 = tpu.memref_slice %arg15[%dma_start3A_194, %dma_start3A_195] : memref<2x2x!tpu.dma_semaphore, #tpu.memory_space<semaphore_mem>> -> memref<1x1x!tpu.dma_semaphore, #tpu.memory_space<semaphore_mem>>
      %dma_start3A_198 = tpu.memref_squeeze %dma_start3A_197 : memref<1x1x!tpu.dma_semaphore, #tpu.memory_space<semaphore_mem>> -> memref<!tpu.dma_semaphore, #tpu.memory_space<semaphore_mem>>
      %dma_start3A_199 = tpu.memref_slice %arg3[%mul3A_193] : memref<6400000xi32, #tpu.memory_space<hbm>> -> memref<12800xi32, #tpu.memory_space<hbm>>
      tpu.enqueue_dma source(%dma_start3A_199 : memref<12800xi32, #tpu.memory_space<hbm>>) target(%arg9 : memref<12800xi32, #tpu.memory_space<vmem>>) target_semaphore(%dma_start3A_198 : memref<!tpu.dma_semaphore, #tpu.memory_space<semaphore_mem>>)
      %add3A_200 = arith.constant 0 : i32
      %add3A_201 = arith.addi %min3A_161, %add3A_200 : i32
      %mul3A_202 = arith.constant 12800 : i32
      %mul3A_203 = arith.muli %add3A_201, %mul3A_202 : i32
      %dma_start3A_204 = arith.constant 0 : i32
      %dma_start3A_205 = arith.constant 1 : i32
      %dma_start3A_206 = tpu.memref_slice %arg2[%mul3A_203] : memref<6400000xf32, #tpu.memory_space<hbm>> -> memref<12800xf32, #tpu.memory_space<hbm>>
      %dma_start3A_207 = tpu.memref_slice %arg15[%dma_start3A_204, %dma_start3A_205] : memref<2x2x!tpu.dma_semaphore, #tpu.memory_space<semaphore_mem>> -> memref<1x1x!tpu.dma_semaphore, #tpu.memory_space<semaphore_mem>>
      %dma_start3A_208 = tpu.memref_squeeze %dma_start3A_207 : memref<1x1x!tpu.dma_semaphore, #tpu.memory_space<semaphore_mem>> -> memref<!tpu.dma_semaphore, #tpu.memory_space<semaphore_mem>>
      %dma_start3A_209 = tpu.memref_slice %arg2[%mul3A_203] : memref<6400000xf32, #tpu.memory_space<hbm>> -> memref<12800xf32, #tpu.memory_space<hbm>>
      tpu.enqueue_dma source(%dma_start3A_209 : memref<12800xf32, #tpu.memory_space<hbm>>) target(%arg11 : memref<12800xf32, #tpu.memory_space<vmem>>) target_semaphore(%dma_start3A_208 : memref<!tpu.dma_semaphore, #tpu.memory_space<semaphore_mem>>)
    } else {
    }
    %add3A_170 = arith.constant 1 : i32
    %add3A_171 = arith.addi %min3A_161, %add3A_170 : i32
    %lt3A_172 = arith.cmpi slt, %add3A_171, %min3A_165 : i32
    %convert_element_type3A_173 = arith.extui %lt3A_172 : i1 to i32
    %cond3A_174 = arith.constant 0 : i32
    %cond3A_175 = arith.cmpi ne, %convert_element_type3A_173, %cond3A_174 : i32
    scf.if %cond3A_175 {
      %add3A_190 = arith.constant 1 : i32
      %add3A_191 = arith.addi %min3A_161, %add3A_190 : i32
      %mul3A_192 = arith.constant 12800 : i32
      %mul3A_193 = arith.muli %add3A_191, %mul3A_192 : i32
      %dma_start3A_194 = arith.constant 1 : i32
      %dma_start3A_195 = arith.constant 0 : i32
      %dma_start3A_196 = tpu.memref_slice %arg3[%mul3A_193] : memref<6400000xi32, #tpu.memory_space<hbm>> -> memref<12800xi32, #tpu.memory_space<hbm>>
      %dma_start3A_197 = tpu.memref_slice %arg15[%dma_start3A_194, %dma_start3A_195] : memref<2x2x!tpu.dma_semaphore, #tpu.memory_space<semaphore_mem>> -> memref<1x1x!tpu.dma_semaphore, #tpu.memory_space<semaphore_mem>>
      %dma_start3A_198 = tpu.memref_squeeze %dma_start3A_197 : memref<1x1x!tpu.dma_semaphore, #tpu.memory_space<semaphore_mem>> -> memref<!tpu.dma_semaphore, #tpu.memory_space<semaphore_mem>>
      %dma_start3A_199 = tpu.memref_slice %arg3[%mul3A_193] : memref<6400000xi32, #tpu.memory_space<hbm>> -> memref<12800xi32, #tpu.memory_space<hbm>>
      tpu.enqueue_dma source(%dma_start3A_199 : memref<12800xi32, #tpu.memory_space<hbm>>) target(%arg10 : memref<12800xi32, #tpu.memory_space<vmem>>) target_semaphore(%dma_start3A_198 : memref<!tpu.dma_semaphore, #tpu.memory_space<semaphore_mem>>)
      %add3A_200 = arith.constant 1 : i32
      %add3A_201 = arith.addi %min3A_161, %add3A_200 : i32
      %mul3A_202 = arith.constant 12800 : i32
      %mul3A_203 = arith.muli %add3A_201, %mul3A_202 : i32
      %dma_start3A_204 = arith.constant 1 : i32
      %dma_start3A_205 = arith.constant 1 : i32
      %dma_start3A_206 = tpu.memref_slice %arg2[%mul3A_203] : memref<6400000xf32, #tpu.memory_space<hbm>> -> memref<12800xf32, #tpu.memory_space<hbm>>
      %dma_start3A_207 = tpu.memref_slice %arg15[%dma_start3A_204, %dma_start3A_205] : memref<2x2x!tpu.dma_semaphore, #tpu.memory_space<semaphore_mem>> -> memref<1x1x!tpu.dma_semaphore, #tpu.memory_space<semaphore_mem>>
      %dma_start3A_208 = tpu.memref_squeeze %dma_start3A_207 : memref<1x1x!tpu.dma_semaphore, #tpu.memory_space<semaphore_mem>> -> memref<!tpu.dma_semaphore, #tpu.memory_space<semaphore_mem>>
      %dma_start3A_209 = tpu.memref_slice %arg2[%mul3A_203] : memref<6400000xf32, #tpu.memory_space<hbm>> -> memref<12800xf32, #tpu.memory_space<hbm>>
      tpu.enqueue_dma source(%dma_start3A_209 : memref<12800xf32, #tpu.memory_space<hbm>>) target(%arg12 : memref<12800xf32, #tpu.memory_space<vmem>>) target_semaphore(%dma_start3A_208 : memref<!tpu.dma_semaphore, #tpu.memory_space<semaphore_mem>>)
    } else {
    }
    %sub3A = arith.subi %min3A_165, %min3A_161 : i32
    %sub3A_176 = arith.constant 1 : i32
    %sub3A_177 = arith.constant 1 : i32
    %sub3A_178 = arith.subi %sub3A_176, %sub3A_177 : i32
    %add3A_179 = arith.addi %sub3A, %sub3A_178 : i32
    %div3A = arith.constant 1 : i32
    %div3A_180 = arith.divsi %add3A_179, %div3A : i32
    %while3A = arith.constant 1 : i32
    %while3A_181 = arith.constant 0 : i32
    %while3A_182 = arith.subi %div3A_180, %while3A_181 : i32
    %while3A_183 = arith.addi %while3A_181, %while3A_182 : i32
    %while3A_184 = arith.constant 1 : i32
    %while3A_185 = arith.divsi %while3A_182, %while3A_184 : i32
    %while3A_186 = arith.muli %while3A_185, %while3A_184 : i32
    %while3A_187 = arith.addi %while3A_181, %while3A_186 : i32
    %while3A_188 = arith.constant 1 : i32
    scf.for %while3A_190 = %while3A_181 to %while3A_187 step %while3A_188  : i32 {
      %mul3A_191 = arith.muli %while3A_190, %while3A : i32
      %add3A_192 = arith.addi %min3A_161, %mul3A_191 : i32
      %sub3A_193 = arith.subi %add3A_192, %min3A_161 : i32
      %rem3A = arith.constant 2 : i32
      %rem3A_194 = arith.remsi %sub3A_193, %rem3A : i32
      %eq3A_195 = arith.constant 0 : i32
      %eq3A_196 = arith.cmpi eq, %rem3A_194, %eq3A_195 : i32
      %convert_element_type3A_197 = arith.extui %eq3A_196 : i1 to i32
      %cond3A_198 = arith.constant 0 : i32
      %cond3A_199 = arith.cmpi ne, %convert_element_type3A_197, %cond3A_198 : i32
      scf.if %cond3A_199 {
        %mul3A_205 = arith.constant 12800 : i32
        %mul3A_206 = arith.muli %add3A_192, %mul3A_205 : i32
        %dma_wait3A_207 = arith.constant 0 : i32
        %dma_wait3A_208 = arith.constant 0 : i32
        %dma_wait3A_209 = tpu.memref_slice %arg3[%mul3A_206] : memref<6400000xi32, #tpu.memory_space<hbm>> -> memref<12800xi32, #tpu.memory_space<hbm>>
        %dma_wait3A_210 = tpu.memref_slice %arg15[%dma_wait3A_207, %dma_wait3A_208] : memref<2x2x!tpu.dma_semaphore, #tpu.memory_space<semaphore_mem>> -> memref<1x1x!tpu.dma_semaphore, #tpu.memory_space<semaphore_mem>>
        %dma_wait3A_211 = tpu.memref_squeeze %dma_wait3A_210 : memref<1x1x!tpu.dma_semaphore, #tpu.memory_space<semaphore_mem>> -> memref<!tpu.dma_semaphore, #tpu.memory_space<semaphore_mem>>
        %dma_wait3A_212 = tpu.memref_slice %arg3[%mul3A_206] : memref<6400000xi32, #tpu.memory_space<hbm>> -> memref<12800xi32, #tpu.memory_space<hbm>>
        tpu.wait_dma2 semaphore(%dma_wait3A_211 : memref<!tpu.dma_semaphore, #tpu.memory_space<semaphore_mem>>) src(%dma_wait3A_212 : memref<12800xi32, #tpu.memory_space<hbm>>) dst(%arg9 : memref<12800xi32, #tpu.memory_space<vmem>>)
        %mul3A_213 = arith.constant 12800 : i32
        %mul3A_214 = arith.muli %add3A_192, %mul3A_213 : i32
        %dma_wait3A_215 = arith.constant 0 : i32
        %dma_wait3A_216 = arith.constant 1 : i32
        %dma_wait3A_217 = tpu.memref_slice %arg2[%mul3A_214] : memref<6400000xf32, #tpu.memory_space<hbm>> -> memref<12800xf32, #tpu.memory_space<hbm>>
        %dma_wait3A_218 = tpu.memref_slice %arg15[%dma_wait3A_215, %dma_wait3A_216] : memref<2x2x!tpu.dma_semaphore, #tpu.memory_space<semaphore_mem>> -> memref<1x1x!tpu.dma_semaphore, #tpu.memory_space<semaphore_mem>>
        %dma_wait3A_219 = tpu.memref_squeeze %dma_wait3A_218 : memref<1x1x!tpu.dma_semaphore, #tpu.memory_space<semaphore_mem>> -> memref<!tpu.dma_semaphore, #tpu.memory_space<semaphore_mem>>
        %dma_wait3A_220 = tpu.memref_slice %arg2[%mul3A_214] : memref<6400000xf32, #tpu.memory_space<hbm>> -> memref<12800xf32, #tpu.memory_space<hbm>>
        tpu.wait_dma2 semaphore(%dma_wait3A_219 : memref<!tpu.dma_semaphore, #tpu.memory_space<semaphore_mem>>) src(%dma_wait3A_220 : memref<12800xf32, #tpu.memory_space<hbm>>) dst(%arg11 : memref<12800xf32, #tpu.memory_space<vmem>>)
        %parallel_loop3A = arith.constant 0 : i32
        %parallel_loop3A_221 = arith.constant 800 : i32
        %parallel_loop3A_222 = arith.constant 1 : i32
        scf.for %parallel_loop3A_229 = %parallel_loop3A to %parallel_loop3A_221 step %parallel_loop3A_222  : i32 {
          %parallel_loop3A_230 = arith.constant 16 : i32
          %parallel_loop3A_231 = arith.muli %parallel_loop3A_229, %parallel_loop3A_230 : i32
          %parallel_loop3A_232 = arith.index_cast %parallel_loop3A_231 : i32 to index
          %parallel_loop3A_233 = tpu.vector_load %arg9[%parallel_loop3A_232] {strides = array<i32>} : memref<12800xi32, #tpu.memory_space<vmem>>, vector<16xi32>,
          %parallel_loop3A_234 = arith.index_cast %parallel_loop3A_231 : i32 to index
          %parallel_loop3A_235 = tpu.vector_load %arg11[%parallel_loop3A_234] {strides = array<i32>} : memref<12800xf32, #tpu.memory_space<vmem>>, vector<16xf32>,
          %parallel_loop3A_236 = vector.broadcast %mul3A_46 : i32 to vector<16xi32>
          %parallel_loop3A_237 = arith.subi %parallel_loop3A_233, %parallel_loop3A_236 : vector<16xi32>
          %parallel_loop3A_238 = arith.constant 0 : i32
          %parallel_loop3A_239 = vector.broadcast %parallel_loop3A_238 : i32 to vector<16xi32>
          %parallel_loop3A_240 = arith.cmpi slt, %min3A_5, %parallel_loop3A_239 : vector<16xi32>
          %parallel_loop3A_241 = arith.constant 16 : i32
          %parallel_loop3A_242 = vector.broadcast %parallel_loop3A_241 : i32 to vector<16xi32>
          %parallel_loop3A_243 = arith.addi %min3A_5, %parallel_loop3A_242 : vector<16xi32>
          %parallel_loop3A_244 = arith.select %parallel_loop3A_240, %parallel_loop3A_243, %min3A_5 : vector<16xi1>, vector<16xi32>
          %parallel_loop3A_245 = vector.shape_cast %parallel_loop3A_244 : vector<16xi32> to vector<16x1xi32>
          %parallel_loop3A_246 = vector.shape_cast %parallel_loop3A_245 : vector<16x1xi32> to vector<16xi32>
          %parallel_loop3A_247 = tpu.dynamic_gather %parallel_loop3A_237[%parallel_loop3A_246] in [0] : vector<16xi32>, vector<16xi32> -> vector<16xi32>
          %parallel_loop3A_248 = arith.mulf %parallel_loop3A_235, %get3A_12 : vector<16xf32>
          %parallel_loop3A_249 = arith.addf %parallel_loop3A_248, %get3A_10 : vector<16xf32>
          %parallel_loop3A_250 = arith.constant true
          %parallel_loop3A_251 = vector.broadcast %parallel_loop3A_250 : i1 to vector<16xi1>
          %parallel_loop3A_252 = tpu.scan <sum>, %parallel_loop3A_249 masked %parallel_loop3A_251 : vector<16xf32>, vector<16xi1> -> vector<16xf32>
          %parallel_loop3A_253 = arith.cmpi ne, %parallel_loop3A_237, %parallel_loop3A_247 : vector<16xi32>
          %parallel_loop3A_254 = arith.ori %parallel_loop3A_253, %eq3A_7 : vector<16xi1>
          %parallel_loop3A_255 = vector.bitcast %parallel_loop3A_237 : vector<16xi32> to vector<16xi32>
          %parallel_loop3A_256 = arith.constant 3200 : i32
          %parallel_loop3A_257 = vector.broadcast %parallel_loop3A_256 : i32 to vector<16xi32>
          %parallel_loop3A_258 = arith.cmpi ult, %parallel_loop3A_255, %parallel_loop3A_257 : vector<16xi32>
          %parallel_loop3A_259 = vector.bitcast %parallel_loop3A_247 : vector<16xi32> to vector<16xi32>
          %parallel_loop3A_260 = arith.constant 3200 : i32
          %parallel_loop3A_261 = vector.broadcast %parallel_loop3A_260 : i32 to vector<16xi32>
          %parallel_loop3A_262 = arith.cmpi ult, %parallel_loop3A_259, %parallel_loop3A_261 : vector<16xi32>
          %parallel_loop3A_263 = arith.andi %parallel_loop3A_254, %parallel_loop3A_258 : vector<16xi1>
          %parallel_loop3A_264 = arith.andi %parallel_loop3A_254, %lt3A_9 : vector<16xi1>
          %parallel_loop3A_265 = arith.andi %parallel_loop3A_264, %parallel_loop3A_262 : vector<16xi1>
          tpu.vector_store_idx %arg13[%parallel_loop3A_237], %parallel_loop3A_252 masked %parallel_loop3A_263 {add = true} : memref<3200xf32, #tpu.memory_space<vmem>>[vector<16xi32>], vector<16xf32>, vector<16xi1>
          %parallel_loop3A_266 = arith.constant 0.000000e+00 : f32
          %parallel_loop3A_267 = vector.broadcast %parallel_loop3A_266 : f32 to vector<16xf32>
          %parallel_loop3A_268 = arith.subf %parallel_loop3A_267, %parallel_loop3A_252 : vector<16xf32>
          tpu.vector_store_idx %arg13[%parallel_loop3A_247], %parallel_loop3A_268 masked %parallel_loop3A_265 {add = true} : memref<3200xf32, #tpu.memory_space<vmem>>[vector<16xi32>], vector<16xf32>, vector<16xi1>
        } {sc.loop_unroll_factor = 16 : i64, sc.parallel_access}
        %add3A_223 = arith.constant 2 : i32
        %add3A_224 = arith.addi %add3A_192, %add3A_223 : i32
        %lt3A_225 = arith.cmpi slt, %add3A_224, %min3A_165 : i32
        %convert_element_type3A_226 = arith.extui %lt3A_225 : i1 to i32
        %cond3A_227 = arith.constant 0 : i32
        %cond3A_228 = arith.cmpi ne, %convert_element_type3A_226, %cond3A_227 : i32
        scf.if %cond3A_228 {
          %add3A_229 = arith.constant 2 : i32
          %add3A_230 = arith.addi %add3A_192, %add3A_229 : i32
          %mul3A_231 = arith.constant 12800 : i32
          %mul3A_232 = arith.muli %add3A_230, %mul3A_231 : i32
          %dma_start3A_233 = arith.constant 0 : i32
          %dma_start3A_234 = arith.constant 0 : i32
          %dma_start3A_235 = tpu.memref_slice %arg3[%mul3A_232] : memref<6400000xi32, #tpu.memory_space<hbm>> -> memref<12800xi32, #tpu.memory_space<hbm>>
          %dma_start3A_236 = tpu.memref_slice %arg15[%dma_start3A_233, %dma_start3A_234] : memref<2x2x!tpu.dma_semaphore, #tpu.memory_space<semaphore_mem>> -> memref<1x1x!tpu.dma_semaphore, #tpu.memory_space<semaphore_mem>>
          %dma_start3A_237 = tpu.memref_squeeze %dma_start3A_236 : memref<1x1x!tpu.dma_semaphore, #tpu.memory_space<semaphore_mem>> -> memref<!tpu.dma_semaphore, #tpu.memory_space<semaphore_mem>>
          %dma_start3A_238 = tpu.memref_slice %arg3[%mul3A_232] : memref<6400000xi32, #tpu.memory_space<hbm>> -> memref<12800xi32, #tpu.memory_space<hbm>>
          tpu.enqueue_dma source(%dma_start3A_238 : memref<12800xi32, #tpu.memory_space<hbm>>) target(%arg9 : memref<12800xi32, #tpu.memory_space<vmem>>) target_semaphore(%dma_start3A_237 : memref<!tpu.dma_semaphore, #tpu.memory_space<semaphore_mem>>)
          %add3A_239 = arith.constant 2 : i32
          %add3A_240 = arith.addi %add3A_192, %add3A_239 : i32
          %mul3A_241 = arith.constant 12800 : i32
          %mul3A_242 = arith.muli %add3A_240, %mul3A_241 : i32
          %dma_start3A_243 = arith.constant 0 : i32
          %dma_start3A_244 = arith.constant 1 : i32
          %dma_start3A_245 = tpu.memref_slice %arg2[%mul3A_242] : memref<6400000xf32, #tpu.memory_space<hbm>> -> memref<12800xf32, #tpu.memory_space<hbm>>
          %dma_start3A_246 = tpu.memref_slice %arg15[%dma_start3A_243, %dma_start3A_244] : memref<2x2x!tpu.dma_semaphore, #tpu.memory_space<semaphore_mem>> -> memref<1x1x!tpu.dma_semaphore, #tpu.memory_space<semaphore_mem>>
          %dma_start3A_247 = tpu.memref_squeeze %dma_start3A_246 : memref<1x1x!tpu.dma_semaphore, #tpu.memory_space<semaphore_mem>> -> memref<!tpu.dma_semaphore, #tpu.memory_space<semaphore_mem>>
          %dma_start3A_248 = tpu.memref_slice %arg2[%mul3A_242] : memref<6400000xf32, #tpu.memory_space<hbm>> -> memref<12800xf32, #tpu.memory_space<hbm>>
          tpu.enqueue_dma source(%dma_start3A_248 : memref<12800xf32, #tpu.memory_space<hbm>>) target(%arg11 : memref<12800xf32, #tpu.memory_space<vmem>>) target_semaphore(%dma_start3A_247 : memref<!tpu.dma_semaphore, #tpu.memory_space<semaphore_mem>>)
        } else {
        }
      } else {
      }
      %eq3A_200 = arith.constant 1 : i32
      %eq3A_201 = arith.cmpi eq, %rem3A_194, %eq3A_200 : i32
      %convert_element_type3A_202 = arith.extui %eq3A_201 : i1 to i32
      %cond3A_203 = arith.constant 0 : i32
      %cond3A_204 = arith.cmpi ne, %convert_element_type3A_202, %cond3A_203 : i32
      scf.if %cond3A_204 {
        %mul3A_205 = arith.constant 12800 : i32
        %mul3A_206 = arith.muli %add3A_192, %mul3A_205 : i32
        %dma_wait3A_207 = arith.constant 1 : i32
        %dma_wait3A_208 = arith.constant 0 : i32
        %dma_wait3A_209 = tpu.memref_slice %arg3[%mul3A_206] : memref<6400000xi32, #tpu.memory_space<hbm>> -> memref<12800xi32, #tpu.memory_space<hbm>>
        %dma_wait3A_210 = tpu.memref_slice %arg15[%dma_wait3A_207, %dma_wait3A_208] : memref<2x2x!tpu.dma_semaphore, #tpu.memory_space<semaphore_mem>> -> memref<1x1x!tpu.dma_semaphore, #tpu.memory_space<semaphore_mem>>
        %dma_wait3A_211 = tpu.memref_squeeze %dma_wait3A_210 : memref<1x1x!tpu.dma_semaphore, #tpu.memory_space<semaphore_mem>> -> memref<!tpu.dma_semaphore, #tpu.memory_space<semaphore_mem>>
        %dma_wait3A_212 = tpu.memref_slice %arg3[%mul3A_206] : memref<6400000xi32, #tpu.memory_space<hbm>> -> memref<12800xi32, #tpu.memory_space<hbm>>
        tpu.wait_dma2 semaphore(%dma_wait3A_211 : memref<!tpu.dma_semaphore, #tpu.memory_space<semaphore_mem>>) src(%dma_wait3A_212 : memref<12800xi32, #tpu.memory_space<hbm>>) dst(%arg10 : memref<12800xi32, #tpu.memory_space<vmem>>)
        %mul3A_213 = arith.constant 12800 : i32
        %mul3A_214 = arith.muli %add3A_192, %mul3A_213 : i32
        %dma_wait3A_215 = arith.constant 1 : i32
        %dma_wait3A_216 = arith.constant 1 : i32
        %dma_wait3A_217 = tpu.memref_slice %arg2[%mul3A_214] : memref<6400000xf32, #tpu.memory_space<hbm>> -> memref<12800xf32, #tpu.memory_space<hbm>>
        %dma_wait3A_218 = tpu.memref_slice %arg15[%dma_wait3A_215, %dma_wait3A_216] : memref<2x2x!tpu.dma_semaphore, #tpu.memory_space<semaphore_mem>> -> memref<1x1x!tpu.dma_semaphore, #tpu.memory_space<semaphore_mem>>
        %dma_wait3A_219 = tpu.memref_squeeze %dma_wait3A_218 : memref<1x1x!tpu.dma_semaphore, #tpu.memory_space<semaphore_mem>> -> memref<!tpu.dma_semaphore, #tpu.memory_space<semaphore_mem>>
        %dma_wait3A_220 = tpu.memref_slice %arg2[%mul3A_214] : memref<6400000xf32, #tpu.memory_space<hbm>> -> memref<12800xf32, #tpu.memory_space<hbm>>
        tpu.wait_dma2 semaphore(%dma_wait3A_219 : memref<!tpu.dma_semaphore, #tpu.memory_space<semaphore_mem>>) src(%dma_wait3A_220 : memref<12800xf32, #tpu.memory_space<hbm>>) dst(%arg12 : memref<12800xf32, #tpu.memory_space<vmem>>)
        %parallel_loop3A = arith.constant 0 : i32
        %parallel_loop3A_221 = arith.constant 800 : i32
        %parallel_loop3A_222 = arith.constant 1 : i32
        scf.for %parallel_loop3A_229 = %parallel_loop3A to %parallel_loop3A_221 step %parallel_loop3A_222  : i32 {
          %parallel_loop3A_230 = arith.constant 16 : i32
          %parallel_loop3A_231 = arith.muli %parallel_loop3A_229, %parallel_loop3A_230 : i32
          %parallel_loop3A_232 = arith.index_cast %parallel_loop3A_231 : i32 to index
          %parallel_loop3A_233 = tpu.vector_load %arg10[%parallel_loop3A_232] {strides = array<i32>} : memref<12800xi32, #tpu.memory_space<vmem>>, vector<16xi32>,
          %parallel_loop3A_234 = arith.index_cast %parallel_loop3A_231 : i32 to index
          %parallel_loop3A_235 = tpu.vector_load %arg12[%parallel_loop3A_234] {strides = array<i32>} : memref<12800xf32, #tpu.memory_space<vmem>>, vector<16xf32>,
          %parallel_loop3A_236 = vector.broadcast %mul3A_46 : i32 to vector<16xi32>
          %parallel_loop3A_237 = arith.subi %parallel_loop3A_233, %parallel_loop3A_236 : vector<16xi32>
          %parallel_loop3A_238 = arith.constant 0 : i32
          %parallel_loop3A_239 = vector.broadcast %parallel_loop3A_238 : i32 to vector<16xi32>
          %parallel_loop3A_240 = arith.cmpi slt, %min3A_5, %parallel_loop3A_239 : vector<16xi32>
          %parallel_loop3A_241 = arith.constant 16 : i32
          %parallel_loop3A_242 = vector.broadcast %parallel_loop3A_241 : i32 to vector<16xi32>
          %parallel_loop3A_243 = arith.addi %min3A_5, %parallel_loop3A_242 : vector<16xi32>
          %parallel_loop3A_244 = arith.select %parallel_loop3A_240, %parallel_loop3A_243, %min3A_5 : vector<16xi1>, vector<16xi32>
          %parallel_loop3A_245 = vector.shape_cast %parallel_loop3A_244 : vector<16xi32> to vector<16x1xi32>
          %parallel_loop3A_246 = vector.shape_cast %parallel_loop3A_245 : vector<16x1xi32> to vector<16xi32>
          %parallel_loop3A_247 = tpu.dynamic_gather %parallel_loop3A_237[%parallel_loop3A_246] in [0] : vector<16xi32>, vector<16xi32> -> vector<16xi32>
          %parallel_loop3A_248 = arith.mulf %parallel_loop3A_235, %get3A_12 : vector<16xf32>
          %parallel_loop3A_249 = arith.addf %parallel_loop3A_248, %get3A_10 : vector<16xf32>
          %parallel_loop3A_250 = arith.constant true
          %parallel_loop3A_251 = vector.broadcast %parallel_loop3A_250 : i1 to vector<16xi1>
          %parallel_loop3A_252 = tpu.scan <sum>, %parallel_loop3A_249 masked %parallel_loop3A_251 : vector<16xf32>, vector<16xi1> -> vector<16xf32>
          %parallel_loop3A_253 = arith.cmpi ne, %parallel_loop3A_237, %parallel_loop3A_247 : vector<16xi32>
          %parallel_loop3A_254 = arith.ori %parallel_loop3A_253, %eq3A_7 : vector<16xi1>
          %parallel_loop3A_255 = vector.bitcast %parallel_loop3A_237 : vector<16xi32> to vector<16xi32>
          %parallel_loop3A_256 = arith.constant 3200 : i32
          %parallel_loop3A_257 = vector.broadcast %parallel_loop3A_256 : i32 to vector<16xi32>
          %parallel_loop3A_258 = arith.cmpi ult, %parallel_loop3A_255, %parallel_loop3A_257 : vector<16xi32>
          %parallel_loop3A_259 = vector.bitcast %parallel_loop3A_247 : vector<16xi32> to vector<16xi32>
          %parallel_loop3A_260 = arith.constant 3200 : i32
          %parallel_loop3A_261 = vector.broadcast %parallel_loop3A_260 : i32 to vector<16xi32>
          %parallel_loop3A_262 = arith.cmpi ult, %parallel_loop3A_259, %parallel_loop3A_261 : vector<16xi32>
          %parallel_loop3A_263 = arith.andi %parallel_loop3A_254, %parallel_loop3A_258 : vector<16xi1>
          %parallel_loop3A_264 = arith.andi %parallel_loop3A_254, %lt3A_9 : vector<16xi1>
          %parallel_loop3A_265 = arith.andi %parallel_loop3A_264, %parallel_loop3A_262 : vector<16xi1>
          tpu.vector_store_idx %arg13[%parallel_loop3A_237], %parallel_loop3A_252 masked %parallel_loop3A_263 {add = true} : memref<3200xf32, #tpu.memory_space<vmem>>[vector<16xi32>], vector<16xf32>, vector<16xi1>
          %parallel_loop3A_266 = arith.constant 0.000000e+00 : f32
          %parallel_loop3A_267 = vector.broadcast %parallel_loop3A_266 : f32 to vector<16xf32>
          %parallel_loop3A_268 = arith.subf %parallel_loop3A_267, %parallel_loop3A_252 : vector<16xf32>
          tpu.vector_store_idx %arg13[%parallel_loop3A_247], %parallel_loop3A_268 masked %parallel_loop3A_265 {add = true} : memref<3200xf32, #tpu.memory_space<vmem>>[vector<16xi32>], vector<16xf32>, vector<16xi1>
        } {sc.loop_unroll_factor = 16 : i64, sc.parallel_access}
        %add3A_223 = arith.constant 2 : i32
        %add3A_224 = arith.addi %add3A_192, %add3A_223 : i32
        %lt3A_225 = arith.cmpi slt, %add3A_224, %min3A_165 : i32
        %convert_element_type3A_226 = arith.extui %lt3A_225 : i1 to i32
        %cond3A_227 = arith.constant 0 : i32
        %cond3A_228 = arith.cmpi ne, %convert_element_type3A_226, %cond3A_227 : i32
        scf.if %cond3A_228 {
          %add3A_229 = arith.constant 2 : i32
          %add3A_230 = arith.addi %add3A_192, %add3A_229 : i32
          %mul3A_231 = arith.constant 12800 : i32
          %mul3A_232 = arith.muli %add3A_230, %mul3A_231 : i32
          %dma_start3A_233 = arith.constant 1 : i32
          %dma_start3A_234 = arith.constant 0 : i32
          %dma_start3A_235 = tpu.memref_slice %arg3[%mul3A_232] : memref<6400000xi32, #tpu.memory_space<hbm>> -> memref<12800xi32, #tpu.memory_space<hbm>>
          %dma_start3A_236 = tpu.memref_slice %arg15[%dma_start3A_233, %dma_start3A_234] : memref<2x2x!tpu.dma_semaphore, #tpu.memory_space<semaphore_mem>> -> memref<1x1x!tpu.dma_semaphore, #tpu.memory_space<semaphore_mem>>
          %dma_start3A_237 = tpu.memref_squeeze %dma_start3A_236 : memref<1x1x!tpu.dma_semaphore, #tpu.memory_space<semaphore_mem>> -> memref<!tpu.dma_semaphore, #tpu.memory_space<semaphore_mem>>
          %dma_start3A_238 = tpu.memref_slice %arg3[%mul3A_232] : memref<6400000xi32, #tpu.memory_space<hbm>> -> memref<12800xi32, #tpu.memory_space<hbm>>
          tpu.enqueue_dma source(%dma_start3A_238 : memref<12800xi32, #tpu.memory_space<hbm>>) target(%arg10 : memref<12800xi32, #tpu.memory_space<vmem>>) target_semaphore(%dma_start3A_237 : memref<!tpu.dma_semaphore, #tpu.memory_space<semaphore_mem>>)
          %add3A_239 = arith.constant 2 : i32
          %add3A_240 = arith.addi %add3A_192, %add3A_239 : i32
          %mul3A_241 = arith.constant 12800 : i32
          %mul3A_242 = arith.muli %add3A_240, %mul3A_241 : i32
          %dma_start3A_243 = arith.constant 1 : i32
          %dma_start3A_244 = arith.constant 1 : i32
          %dma_start3A_245 = tpu.memref_slice %arg2[%mul3A_242] : memref<6400000xf32, #tpu.memory_space<hbm>> -> memref<12800xf32, #tpu.memory_space<hbm>>
          %dma_start3A_246 = tpu.memref_slice %arg15[%dma_start3A_243, %dma_start3A_244] : memref<2x2x!tpu.dma_semaphore, #tpu.memory_space<semaphore_mem>> -> memref<1x1x!tpu.dma_semaphore, #tpu.memory_space<semaphore_mem>>
          %dma_start3A_247 = tpu.memref_squeeze %dma_start3A_246 : memref<1x1x!tpu.dma_semaphore, #tpu.memory_space<semaphore_mem>> -> memref<!tpu.dma_semaphore, #tpu.memory_space<semaphore_mem>>
          %dma_start3A_248 = tpu.memref_slice %arg2[%mul3A_242] : memref<6400000xf32, #tpu.memory_space<hbm>> -> memref<12800xf32, #tpu.memory_space<hbm>>
          tpu.enqueue_dma source(%dma_start3A_248 : memref<12800xf32, #tpu.memory_space<hbm>>) target(%arg12 : memref<12800xf32, #tpu.memory_space<vmem>>) target_semaphore(%dma_start3A_247 : memref<!tpu.dma_semaphore, #tpu.memory_space<semaphore_mem>>)
        } else {
        }
      } else {
      }
    }
    %while3A_189 = arith.constant 1 : i32
    scf.for %while3A_190 = %while3A_187 to %while3A_183 step %while3A_189  : i32 {
      %mul3A_191 = arith.muli %while3A_190, %while3A : i32
      %add3A_192 = arith.addi %min3A_161, %mul3A_191 : i32
      %sub3A_193 = arith.subi %add3A_192, %min3A_161 : i32
      %rem3A = arith.constant 2 : i32
      %rem3A_194 = arith.remsi %sub3A_193, %rem3A : i32
      %eq3A_195 = arith.constant 0 : i32
      %eq3A_196 = arith.cmpi eq, %rem3A_194, %eq3A_195 : i32
      %convert_element_type3A_197 = arith.extui %eq3A_196 : i1 to i32
      %cond3A_198 = arith.constant 0 : i32
      %cond3A_199 = arith.cmpi ne, %convert_element_type3A_197, %cond3A_198 : i32
      scf.if %cond3A_199 {
        %mul3A_205 = arith.constant 12800 : i32
        %mul3A_206 = arith.muli %add3A_192, %mul3A_205 : i32
        %dma_wait3A_207 = arith.constant 0 : i32
        %dma_wait3A_208 = arith.constant 0 : i32
        %dma_wait3A_209 = tpu.memref_slice %arg3[%mul3A_206] : memref<6400000xi32, #tpu.memory_space<hbm>> -> memref<12800xi32, #tpu.memory_space<hbm>>
        %dma_wait3A_210 = tpu.memref_slice %arg15[%dma_wait3A_207, %dma_wait3A_208] : memref<2x2x!tpu.dma_semaphore, #tpu.memory_space<semaphore_mem>> -> memref<1x1x!tpu.dma_semaphore, #tpu.memory_space<semaphore_mem>>
        %dma_wait3A_211 = tpu.memref_squeeze %dma_wait3A_210 : memref<1x1x!tpu.dma_semaphore, #tpu.memory_space<semaphore_mem>> -> memref<!tpu.dma_semaphore, #tpu.memory_space<semaphore_mem>>
        %dma_wait3A_212 = tpu.memref_slice %arg3[%mul3A_206] : memref<6400000xi32, #tpu.memory_space<hbm>> -> memref<12800xi32, #tpu.memory_space<hbm>>
        tpu.wait_dma2 semaphore(%dma_wait3A_211 : memref<!tpu.dma_semaphore, #tpu.memory_space<semaphore_mem>>) src(%dma_wait3A_212 : memref<12800xi32, #tpu.memory_space<hbm>>) dst(%arg9 : memref<12800xi32, #tpu.memory_space<vmem>>)
        %mul3A_213 = arith.constant 12800 : i32
        %mul3A_214 = arith.muli %add3A_192, %mul3A_213 : i32
        %dma_wait3A_215 = arith.constant 0 : i32
        %dma_wait3A_216 = arith.constant 1 : i32
        %dma_wait3A_217 = tpu.memref_slice %arg2[%mul3A_214] : memref<6400000xf32, #tpu.memory_space<hbm>> -> memref<12800xf32, #tpu.memory_space<hbm>>
        %dma_wait3A_218 = tpu.memref_slice %arg15[%dma_wait3A_215, %dma_wait3A_216] : memref<2x2x!tpu.dma_semaphore, #tpu.memory_space<semaphore_mem>> -> memref<1x1x!tpu.dma_semaphore, #tpu.memory_space<semaphore_mem>>
        %dma_wait3A_219 = tpu.memref_squeeze %dma_wait3A_218 : memref<1x1x!tpu.dma_semaphore, #tpu.memory_space<semaphore_mem>> -> memref<!tpu.dma_semaphore, #tpu.memory_space<semaphore_mem>>
        %dma_wait3A_220 = tpu.memref_slice %arg2[%mul3A_214] : memref<6400000xf32, #tpu.memory_space<hbm>> -> memref<12800xf32, #tpu.memory_space<hbm>>
        tpu.wait_dma2 semaphore(%dma_wait3A_219 : memref<!tpu.dma_semaphore, #tpu.memory_space<semaphore_mem>>) src(%dma_wait3A_220 : memref<12800xf32, #tpu.memory_space<hbm>>) dst(%arg11 : memref<12800xf32, #tpu.memory_space<vmem>>)
        %parallel_loop3A = arith.constant 0 : i32
        %parallel_loop3A_221 = arith.constant 800 : i32
        %parallel_loop3A_222 = arith.constant 1 : i32
        scf.for %parallel_loop3A_229 = %parallel_loop3A to %parallel_loop3A_221 step %parallel_loop3A_222  : i32 {
          %parallel_loop3A_230 = arith.constant 16 : i32
          %parallel_loop3A_231 = arith.muli %parallel_loop3A_229, %parallel_loop3A_230 : i32
          %parallel_loop3A_232 = arith.index_cast %parallel_loop3A_231 : i32 to index
          %parallel_loop3A_233 = tpu.vector_load %arg9[%parallel_loop3A_232] {strides = array<i32>} : memref<12800xi32, #tpu.memory_space<vmem>>, vector<16xi32>,
          %parallel_loop3A_234 = arith.index_cast %parallel_loop3A_231 : i32 to index
          %parallel_loop3A_235 = tpu.vector_load %arg11[%parallel_loop3A_234] {strides = array<i32>} : memref<12800xf32, #tpu.memory_space<vmem>>, vector<16xf32>,
          %parallel_loop3A_236 = vector.broadcast %mul3A_46 : i32 to vector<16xi32>
          %parallel_loop3A_237 = arith.subi %parallel_loop3A_233, %parallel_loop3A_236 : vector<16xi32>
          %parallel_loop3A_238 = arith.constant 0 : i32
          %parallel_loop3A_239 = vector.broadcast %parallel_loop3A_238 : i32 to vector<16xi32>
          %parallel_loop3A_240 = arith.cmpi slt, %min3A_5, %parallel_loop3A_239 : vector<16xi32>
          %parallel_loop3A_241 = arith.constant 16 : i32
          %parallel_loop3A_242 = vector.broadcast %parallel_loop3A_241 : i32 to vector<16xi32>
          %parallel_loop3A_243 = arith.addi %min3A_5, %parallel_loop3A_242 : vector<16xi32>
          %parallel_loop3A_244 = arith.select %parallel_loop3A_240, %parallel_loop3A_243, %min3A_5 : vector<16xi1>, vector<16xi32>
          %parallel_loop3A_245 = vector.shape_cast %parallel_loop3A_244 : vector<16xi32> to vector<16x1xi32>
          %parallel_loop3A_246 = vector.shape_cast %parallel_loop3A_245 : vector<16x1xi32> to vector<16xi32>
          %parallel_loop3A_247 = tpu.dynamic_gather %parallel_loop3A_237[%parallel_loop3A_246] in [0] : vector<16xi32>, vector<16xi32> -> vector<16xi32>
          %parallel_loop3A_248 = arith.mulf %parallel_loop3A_235, %get3A_12 : vector<16xf32>
          %parallel_loop3A_249 = arith.addf %parallel_loop3A_248, %get3A_10 : vector<16xf32>
          %parallel_loop3A_250 = arith.constant true
          %parallel_loop3A_251 = vector.broadcast %parallel_loop3A_250 : i1 to vector<16xi1>
          %parallel_loop3A_252 = tpu.scan <sum>, %parallel_loop3A_249 masked %parallel_loop3A_251 : vector<16xf32>, vector<16xi1> -> vector<16xf32>
          %parallel_loop3A_253 = arith.cmpi ne, %parallel_loop3A_237, %parallel_loop3A_247 : vector<16xi32>
          %parallel_loop3A_254 = arith.ori %parallel_loop3A_253, %eq3A_7 : vector<16xi1>
          %parallel_loop3A_255 = vector.bitcast %parallel_loop3A_237 : vector<16xi32> to vector<16xi32>
          %parallel_loop3A_256 = arith.constant 3200 : i32
          %parallel_loop3A_257 = vector.broadcast %parallel_loop3A_256 : i32 to vector<16xi32>
          %parallel_loop3A_258 = arith.cmpi ult, %parallel_loop3A_255, %parallel_loop3A_257 : vector<16xi32>
          %parallel_loop3A_259 = vector.bitcast %parallel_loop3A_247 : vector<16xi32> to vector<16xi32>
          %parallel_loop3A_260 = arith.constant 3200 : i32
          %parallel_loop3A_261 = vector.broadcast %parallel_loop3A_260 : i32 to vector<16xi32>
          %parallel_loop3A_262 = arith.cmpi ult, %parallel_loop3A_259, %parallel_loop3A_261 : vector<16xi32>
          %parallel_loop3A_263 = arith.andi %parallel_loop3A_254, %parallel_loop3A_258 : vector<16xi1>
          %parallel_loop3A_264 = arith.andi %parallel_loop3A_254, %lt3A_9 : vector<16xi1>
          %parallel_loop3A_265 = arith.andi %parallel_loop3A_264, %parallel_loop3A_262 : vector<16xi1>
          tpu.vector_store_idx %arg13[%parallel_loop3A_237], %parallel_loop3A_252 masked %parallel_loop3A_263 {add = true} : memref<3200xf32, #tpu.memory_space<vmem>>[vector<16xi32>], vector<16xf32>, vector<16xi1>
          %parallel_loop3A_266 = arith.constant 0.000000e+00 : f32
          %parallel_loop3A_267 = vector.broadcast %parallel_loop3A_266 : f32 to vector<16xf32>
          %parallel_loop3A_268 = arith.subf %parallel_loop3A_267, %parallel_loop3A_252 : vector<16xf32>
          tpu.vector_store_idx %arg13[%parallel_loop3A_247], %parallel_loop3A_268 masked %parallel_loop3A_265 {add = true} : memref<3200xf32, #tpu.memory_space<vmem>>[vector<16xi32>], vector<16xf32>, vector<16xi1>
        } {sc.loop_unroll_factor = 16 : i64, sc.parallel_access}
        %add3A_223 = arith.constant 2 : i32
        %add3A_224 = arith.addi %add3A_192, %add3A_223 : i32
        %lt3A_225 = arith.cmpi slt, %add3A_224, %min3A_165 : i32
        %convert_element_type3A_226 = arith.extui %lt3A_225 : i1 to i32
        %cond3A_227 = arith.constant 0 : i32
        %cond3A_228 = arith.cmpi ne, %convert_element_type3A_226, %cond3A_227 : i32
        scf.if %cond3A_228 {
          %add3A_229 = arith.constant 2 : i32
          %add3A_230 = arith.addi %add3A_192, %add3A_229 : i32
          %mul3A_231 = arith.constant 12800 : i32
          %mul3A_232 = arith.muli %add3A_230, %mul3A_231 : i32
          %dma_start3A_233 = arith.constant 0 : i32
          %dma_start3A_234 = arith.constant 0 : i32
          %dma_start3A_235 = tpu.memref_slice %arg3[%mul3A_232] : memref<6400000xi32, #tpu.memory_space<hbm>> -> memref<12800xi32, #tpu.memory_space<hbm>>
          %dma_start3A_236 = tpu.memref_slice %arg15[%dma_start3A_233, %dma_start3A_234] : memref<2x2x!tpu.dma_semaphore, #tpu.memory_space<semaphore_mem>> -> memref<1x1x!tpu.dma_semaphore, #tpu.memory_space<semaphore_mem>>
          %dma_start3A_237 = tpu.memref_squeeze %dma_start3A_236 : memref<1x1x!tpu.dma_semaphore, #tpu.memory_space<semaphore_mem>> -> memref<!tpu.dma_semaphore, #tpu.memory_space<semaphore_mem>>
          %dma_start3A_238 = tpu.memref_slice %arg3[%mul3A_232] : memref<6400000xi32, #tpu.memory_space<hbm>> -> memref<12800xi32, #tpu.memory_space<hbm>>
          tpu.enqueue_dma source(%dma_start3A_238 : memref<12800xi32, #tpu.memory_space<hbm>>) target(%arg9 : memref<12800xi32, #tpu.memory_space<vmem>>) target_semaphore(%dma_start3A_237 : memref<!tpu.dma_semaphore, #tpu.memory_space<semaphore_mem>>)
          %add3A_239 = arith.constant 2 : i32
          %add3A_240 = arith.addi %add3A_192, %add3A_239 : i32
          %mul3A_241 = arith.constant 12800 : i32
          %mul3A_242 = arith.muli %add3A_240, %mul3A_241 : i32
          %dma_start3A_243 = arith.constant 0 : i32
          %dma_start3A_244 = arith.constant 1 : i32
          %dma_start3A_245 = tpu.memref_slice %arg2[%mul3A_242] : memref<6400000xf32, #tpu.memory_space<hbm>> -> memref<12800xf32, #tpu.memory_space<hbm>>
          %dma_start3A_246 = tpu.memref_slice %arg15[%dma_start3A_243, %dma_start3A_244] : memref<2x2x!tpu.dma_semaphore, #tpu.memory_space<semaphore_mem>> -> memref<1x1x!tpu.dma_semaphore, #tpu.memory_space<semaphore_mem>>
          %dma_start3A_247 = tpu.memref_squeeze %dma_start3A_246 : memref<1x1x!tpu.dma_semaphore, #tpu.memory_space<semaphore_mem>> -> memref<!tpu.dma_semaphore, #tpu.memory_space<semaphore_mem>>
          %dma_start3A_248 = tpu.memref_slice %arg2[%mul3A_242] : memref<6400000xf32, #tpu.memory_space<hbm>> -> memref<12800xf32, #tpu.memory_space<hbm>>
          tpu.enqueue_dma source(%dma_start3A_248 : memref<12800xf32, #tpu.memory_space<hbm>>) target(%arg11 : memref<12800xf32, #tpu.memory_space<vmem>>) target_semaphore(%dma_start3A_247 : memref<!tpu.dma_semaphore, #tpu.memory_space<semaphore_mem>>)
        } else {
        }
      } else {
      }
      %eq3A_200 = arith.constant 1 : i32
      %eq3A_201 = arith.cmpi eq, %rem3A_194, %eq3A_200 : i32
      %convert_element_type3A_202 = arith.extui %eq3A_201 : i1 to i32
      %cond3A_203 = arith.constant 0 : i32
      %cond3A_204 = arith.cmpi ne, %convert_element_type3A_202, %cond3A_203 : i32
      scf.if %cond3A_204 {
        %mul3A_205 = arith.constant 12800 : i32
        %mul3A_206 = arith.muli %add3A_192, %mul3A_205 : i32
        %dma_wait3A_207 = arith.constant 1 : i32
        %dma_wait3A_208 = arith.constant 0 : i32
        %dma_wait3A_209 = tpu.memref_slice %arg3[%mul3A_206] : memref<6400000xi32, #tpu.memory_space<hbm>> -> memref<12800xi32, #tpu.memory_space<hbm>>
        %dma_wait3A_210 = tpu.memref_slice %arg15[%dma_wait3A_207, %dma_wait3A_208] : memref<2x2x!tpu.dma_semaphore, #tpu.memory_space<semaphore_mem>> -> memref<1x1x!tpu.dma_semaphore, #tpu.memory_space<semaphore_mem>>
        %dma_wait3A_211 = tpu.memref_squeeze %dma_wait3A_210 : memref<1x1x!tpu.dma_semaphore, #tpu.memory_space<semaphore_mem>> -> memref<!tpu.dma_semaphore, #tpu.memory_space<semaphore_mem>>
        %dma_wait3A_212 = tpu.memref_slice %arg3[%mul3A_206] : memref<6400000xi32, #tpu.memory_space<hbm>> -> memref<12800xi32, #tpu.memory_space<hbm>>
        tpu.wait_dma2 semaphore(%dma_wait3A_211 : memref<!tpu.dma_semaphore, #tpu.memory_space<semaphore_mem>>) src(%dma_wait3A_212 : memref<12800xi32, #tpu.memory_space<hbm>>) dst(%arg10 : memref<12800xi32, #tpu.memory_space<vmem>>)
        %mul3A_213 = arith.constant 12800 : i32
        %mul3A_214 = arith.muli %add3A_192, %mul3A_213 : i32
        %dma_wait3A_215 = arith.constant 1 : i32
        %dma_wait3A_216 = arith.constant 1 : i32
        %dma_wait3A_217 = tpu.memref_slice %arg2[%mul3A_214] : memref<6400000xf32, #tpu.memory_space<hbm>> -> memref<12800xf32, #tpu.memory_space<hbm>>
        %dma_wait3A_218 = tpu.memref_slice %arg15[%dma_wait3A_215, %dma_wait3A_216] : memref<2x2x!tpu.dma_semaphore, #tpu.memory_space<semaphore_mem>> -> memref<1x1x!tpu.dma_semaphore, #tpu.memory_space<semaphore_mem>>
        %dma_wait3A_219 = tpu.memref_squeeze %dma_wait3A_218 : memref<1x1x!tpu.dma_semaphore, #tpu.memory_space<semaphore_mem>> -> memref<!tpu.dma_semaphore, #tpu.memory_space<semaphore_mem>>
        %dma_wait3A_220 = tpu.memref_slice %arg2[%mul3A_214] : memref<6400000xf32, #tpu.memory_space<hbm>> -> memref<12800xf32, #tpu.memory_space<hbm>>
        tpu.wait_dma2 semaphore(%dma_wait3A_219 : memref<!tpu.dma_semaphore, #tpu.memory_space<semaphore_mem>>) src(%dma_wait3A_220 : memref<12800xf32, #tpu.memory_space<hbm>>) dst(%arg12 : memref<12800xf32, #tpu.memory_space<vmem>>)
        %parallel_loop3A = arith.constant 0 : i32
        %parallel_loop3A_221 = arith.constant 800 : i32
        %parallel_loop3A_222 = arith.constant 1 : i32
        scf.for %parallel_loop3A_229 = %parallel_loop3A to %parallel_loop3A_221 step %parallel_loop3A_222  : i32 {
          %parallel_loop3A_230 = arith.constant 16 : i32
          %parallel_loop3A_231 = arith.muli %parallel_loop3A_229, %parallel_loop3A_230 : i32
          %parallel_loop3A_232 = arith.index_cast %parallel_loop3A_231 : i32 to index
          %parallel_loop3A_233 = tpu.vector_load %arg10[%parallel_loop3A_232] {strides = array<i32>} : memref<12800xi32, #tpu.memory_space<vmem>>, vector<16xi32>,
          %parallel_loop3A_234 = arith.index_cast %parallel_loop3A_231 : i32 to index
          %parallel_loop3A_235 = tpu.vector_load %arg12[%parallel_loop3A_234] {strides = array<i32>} : memref<12800xf32, #tpu.memory_space<vmem>>, vector<16xf32>,
          %parallel_loop3A_236 = vector.broadcast %mul3A_46 : i32 to vector<16xi32>
          %parallel_loop3A_237 = arith.subi %parallel_loop3A_233, %parallel_loop3A_236 : vector<16xi32>
          %parallel_loop3A_238 = arith.constant 0 : i32
          %parallel_loop3A_239 = vector.broadcast %parallel_loop3A_238 : i32 to vector<16xi32>
          %parallel_loop3A_240 = arith.cmpi slt, %min3A_5, %parallel_loop3A_239 : vector<16xi32>
          %parallel_loop3A_241 = arith.constant 16 : i32
          %parallel_loop3A_242 = vector.broadcast %parallel_loop3A_241 : i32 to vector<16xi32>
          %parallel_loop3A_243 = arith.addi %min3A_5, %parallel_loop3A_242 : vector<16xi32>
          %parallel_loop3A_244 = arith.select %parallel_loop3A_240, %parallel_loop3A_243, %min3A_5 : vector<16xi1>, vector<16xi32>
          %parallel_loop3A_245 = vector.shape_cast %parallel_loop3A_244 : vector<16xi32> to vector<16x1xi32>
          %parallel_loop3A_246 = vector.shape_cast %parallel_loop3A_245 : vector<16x1xi32> to vector<16xi32>
          %parallel_loop3A_247 = tpu.dynamic_gather %parallel_loop3A_237[%parallel_loop3A_246] in [0] : vector<16xi32>, vector<16xi32> -> vector<16xi32>
          %parallel_loop3A_248 = arith.mulf %parallel_loop3A_235, %get3A_12 : vector<16xf32>
          %parallel_loop3A_249 = arith.addf %parallel_loop3A_248, %get3A_10 : vector<16xf32>
          %parallel_loop3A_250 = arith.constant true
          %parallel_loop3A_251 = vector.broadcast %parallel_loop3A_250 : i1 to vector<16xi1>
          %parallel_loop3A_252 = tpu.scan <sum>, %parallel_loop3A_249 masked %parallel_loop3A_251 : vector<16xf32>, vector<16xi1> -> vector<16xf32>
          %parallel_loop3A_253 = arith.cmpi ne, %parallel_loop3A_237, %parallel_loop3A_247 : vector<16xi32>
          %parallel_loop3A_254 = arith.ori %parallel_loop3A_253, %eq3A_7 : vector<16xi1>
          %parallel_loop3A_255 = vector.bitcast %parallel_loop3A_237 : vector<16xi32> to vector<16xi32>
          %parallel_loop3A_256 = arith.constant 3200 : i32
          %parallel_loop3A_257 = vector.broadcast %parallel_loop3A_256 : i32 to vector<16xi32>
          %parallel_loop3A_258 = arith.cmpi ult, %parallel_loop3A_255, %parallel_loop3A_257 : vector<16xi32>
          %parallel_loop3A_259 = vector.bitcast %parallel_loop3A_247 : vector<16xi32> to vector<16xi32>
          %parallel_loop3A_260 = arith.constant 3200 : i32
          %parallel_loop3A_261 = vector.broadcast %parallel_loop3A_260 : i32 to vector<16xi32>
          %parallel_loop3A_262 = arith.cmpi ult, %parallel_loop3A_259, %parallel_loop3A_261 : vector<16xi32>
          %parallel_loop3A_263 = arith.andi %parallel_loop3A_254, %parallel_loop3A_258 : vector<16xi1>
          %parallel_loop3A_264 = arith.andi %parallel_loop3A_254, %lt3A_9 : vector<16xi1>
          %parallel_loop3A_265 = arith.andi %parallel_loop3A_264, %parallel_loop3A_262 : vector<16xi1>
          tpu.vector_store_idx %arg13[%parallel_loop3A_237], %parallel_loop3A_252 masked %parallel_loop3A_263 {add = true} : memref<3200xf32, #tpu.memory_space<vmem>>[vector<16xi32>], vector<16xf32>, vector<16xi1>
          %parallel_loop3A_266 = arith.constant 0.000000e+00 : f32
          %parallel_loop3A_267 = vector.broadcast %parallel_loop3A_266 : f32 to vector<16xf32>
          %parallel_loop3A_268 = arith.subf %parallel_loop3A_267, %parallel_loop3A_252 : vector<16xf32>
          tpu.vector_store_idx %arg13[%parallel_loop3A_247], %parallel_loop3A_268 masked %parallel_loop3A_265 {add = true} : memref<3200xf32, #tpu.memory_space<vmem>>[vector<16xi32>], vector<16xf32>, vector<16xi1>
        } {sc.loop_unroll_factor = 16 : i64, sc.parallel_access}
        %add3A_223 = arith.constant 2 : i32
        %add3A_224 = arith.addi %add3A_192, %add3A_223 : i32
        %lt3A_225 = arith.cmpi slt, %add3A_224, %min3A_165 : i32
        %convert_element_type3A_226 = arith.extui %lt3A_225 : i1 to i32
        %cond3A_227 = arith.constant 0 : i32
        %cond3A_228 = arith.cmpi ne, %convert_element_type3A_226, %cond3A_227 : i32
        scf.if %cond3A_228 {
          %add3A_229 = arith.constant 2 : i32
          %add3A_230 = arith.addi %add3A_192, %add3A_229 : i32
          %mul3A_231 = arith.constant 12800 : i32
          %mul3A_232 = arith.muli %add3A_230, %mul3A_231 : i32
          %dma_start3A_233 = arith.constant 1 : i32
          %dma_start3A_234 = arith.constant 0 : i32
          %dma_start3A_235 = tpu.memref_slice %arg3[%mul3A_232] : memref<6400000xi32, #tpu.memory_space<hbm>> -> memref<12800xi32, #tpu.memory_space<hbm>>
          %dma_start3A_236 = tpu.memref_slice %arg15[%dma_start3A_233, %dma_start3A_234] : memref<2x2x!tpu.dma_semaphore, #tpu.memory_space<semaphore_mem>> -> memref<1x1x!tpu.dma_semaphore, #tpu.memory_space<semaphore_mem>>
          %dma_start3A_237 = tpu.memref_squeeze %dma_start3A_236 : memref<1x1x!tpu.dma_semaphore, #tpu.memory_space<semaphore_mem>> -> memref<!tpu.dma_semaphore, #tpu.memory_space<semaphore_mem>>
          %dma_start3A_238 = tpu.memref_slice %arg3[%mul3A_232] : memref<6400000xi32, #tpu.memory_space<hbm>> -> memref<12800xi32, #tpu.memory_space<hbm>>
          tpu.enqueue_dma source(%dma_start3A_238 : memref<12800xi32, #tpu.memory_space<hbm>>) target(%arg10 : memref<12800xi32, #tpu.memory_space<vmem>>) target_semaphore(%dma_start3A_237 : memref<!tpu.dma_semaphore, #tpu.memory_space<semaphore_mem>>)
          %add3A_239 = arith.constant 2 : i32
          %add3A_240 = arith.addi %add3A_192, %add3A_239 : i32
          %mul3A_241 = arith.constant 12800 : i32
          %mul3A_242 = arith.muli %add3A_240, %mul3A_241 : i32
          %dma_start3A_243 = arith.constant 1 : i32
          %dma_start3A_244 = arith.constant 1 : i32
          %dma_start3A_245 = tpu.memref_slice %arg2[%mul3A_242] : memref<6400000xf32, #tpu.memory_space<hbm>> -> memref<12800xf32, #tpu.memory_space<hbm>>
          %dma_start3A_246 = tpu.memref_slice %arg15[%dma_start3A_243, %dma_start3A_244] : memref<2x2x!tpu.dma_semaphore, #tpu.memory_space<semaphore_mem>> -> memref<1x1x!tpu.dma_semaphore, #tpu.memory_space<semaphore_mem>>
          %dma_start3A_247 = tpu.memref_squeeze %dma_start3A_246 : memref<1x1x!tpu.dma_semaphore, #tpu.memory_space<semaphore_mem>> -> memref<!tpu.dma_semaphore, #tpu.memory_space<semaphore_mem>>
          %dma_start3A_248 = tpu.memref_slice %arg2[%mul3A_242] : memref<6400000xf32, #tpu.memory_space<hbm>> -> memref<12800xf32, #tpu.memory_space<hbm>>
          tpu.enqueue_dma source(%dma_start3A_248 : memref<12800xf32, #tpu.memory_space<hbm>>) target(%arg12 : memref<12800xf32, #tpu.memory_space<vmem>>) target_semaphore(%dma_start3A_247 : memref<!tpu.dma_semaphore, #tpu.memory_space<semaphore_mem>>)
        } else {
        }
      } else {
      }
    }
    "tpu.region"() ({
      %run_scoped3A = tpu.sem_alloc : memref<!tpu.dma_semaphore, #tpu.memory_space<semaphore_mem>>
      %dma_start3A_190 = arith.constant 0 : i32
      %dma_start3A_191 = tpu.memref_slice %arg6[%add3A, %dma_start3A_190] : memref<32x3200xf32, #tpu.memory_space<hbm>> -> memref<1x3200xf32, #tpu.memory_space<hbm>>
      %dma_start3A_192 = tpu.memref_squeeze %dma_start3A_191 : memref<1x3200xf32, #tpu.memory_space<hbm>> -> memref<3200xf32, #tpu.memory_space<hbm>>
      %dma_start3A_193 = arith.constant 0 : i32
      %dma_start3A_194 = tpu.memref_slice %arg6[%add3A, %dma_start3A_193] : memref<32x3200xf32, #tpu.memory_space<hbm>> -> memref<1x3200xf32, #tpu.memory_space<hbm>>
      %dma_start3A_195 = tpu.memref_squeeze %dma_start3A_194 : memref<1x3200xf32, #tpu.memory_space<hbm>> -> memref<3200xf32, #tpu.memory_space<hbm>>
      tpu.enqueue_dma source(%arg13 : memref<3200xf32, #tpu.memory_space<vmem>>) target(%dma_start3A_195 : memref<3200xf32, #tpu.memory_space<hbm>>) target_semaphore(%run_scoped3A : memref<!tpu.dma_semaphore, #tpu.memory_space<semaphore_mem>>)
      %dma_wait3A_196 = arith.constant 0 : i32
      %dma_wait3A_197 = tpu.memref_slice %arg6[%add3A, %dma_wait3A_196] : memref<32x3200xf32, #tpu.memory_space<hbm>> -> memref<1x3200xf32, #tpu.memory_space<hbm>>
      %dma_wait3A_198 = tpu.memref_squeeze %dma_wait3A_197 : memref<1x3200xf32, #tpu.memory_space<hbm>> -> memref<3200xf32, #tpu.memory_space<hbm>>
      %dma_wait3A_199 = arith.constant 0 : i32
      %dma_wait3A_200 = tpu.memref_slice %arg6[%add3A, %dma_wait3A_199] : memref<32x3200xf32, #tpu.memory_space<hbm>> -> memref<1x3200xf32, #tpu.memory_space<hbm>>
      %dma_wait3A_201 = tpu.memref_squeeze %dma_wait3A_200 : memref<1x3200xf32, #tpu.memory_space<hbm>> -> memref<3200xf32, #tpu.memory_space<hbm>>
      tpu.wait_dma2 semaphore(%run_scoped3A : memref<!tpu.dma_semaphore, #tpu.memory_space<semaphore_mem>>) src(%arg13 : memref<3200xf32, #tpu.memory_space<vmem>>) dst(%dma_wait3A_201 : memref<3200xf32, #tpu.memory_space<hbm>>)
      tpu.yield
    }) : () -> ()
    return
  }
}

</mosaic_0001>

<sc_bundles>
// kernel: _run.3.cloned.1.call-start
scs
__scs_entry_jumppad:
0x0: {  	(pc) =	sbr.rel $0x88, $3  }
0x1: {  	(tag) =	ssettag $0x0;
	lr =	simm.s32 $0x1  }
0x2: {  	[smem:$0x3F9D] =	sst lr;
	_ =	strace $0xD0000000  }
0x3: {  	_ = 	snop  }
0x4: {  	_ = 	snop  }
0x5: {  	_ = 	snop  }
0x6: {  	_ = 	snop  }
0x7: {  	_ = 	snop  }
__scs_overlays_trampoline_lowered:
0x8: {  	[smem:$0x3FAC] =	sst s0  }
0x9: {  	[smem:$0x3FAD] =	sst s1  }
0xa: {  	[smem:$0x3FAE] =	sst s2  }
0xb: {  	[smem:$0x3FAF] =	sst s3  }
0xc: {  	[smem:$0x3FB0] =	sst s4  }
0xd: {  	[smem:$0x3FB1] =	sst s5  }
0xe: {  	[smem:$0x3FB2] =	sst s6  }
0xf: {  	[smem:$0x3FB3] =	sst s7  }
0x10: {  	[smem:$0x3FB4] =	sst s8  }
0x11: {  	[smem:$0x3FB5] =	sst s9;
	s0 =	simm.s32 @!p0 $0x0  }
0x12: {  	s1 =	sld [smem:$0x3F9B];
	s0 =	simm.s32 @p0 $0x1  }
0x13: {  	[smem:$0x3FB6] =	sst s0;
	s0 =	simm.s32 @!p1 $0x0  }
0x14: {  	s2 =	sld [smem:$0x3F9A];
	s0 =	simm.s32 @p1 $0x1  }
0x15: {  	[smem:$0x3FB7] =	sst s0;
	s0 =	simm.s32 @!p2 $0x0  }
0x16: {  	s3 =	sld [smem:$0x3FDB];
	s0 =	simm.s32 @p2 $0x1  }
0x17: {  	s4 =	simm.s32 $0x1BF5;
	[smem:$0x3FB9] =	sst s0  }
0x18: {  	s0 =	sld [smem:$0x3F9C];
	_ =	swait.ge [sflag:s4], $0x0  }
0x19: {  	s7 =	sld [smem:$0x3F9D]  }
0x1a: {  	s8 =	sadd.s32 $0xFFFFE003, lr  }
0x1b: {  	s9 =	sadd.s32 $0xFFFFFEF7, lr;
	s5 =	simm.s32 $0xFFFFFFFF;
	p2 =	slt.u32 s8, $0xFFFFF086  }
0x1c: {  	p1 =	slt.u32 s9, $0xF7A;
	s5 =	simm.s32 @!p2 $0x0  }
0x1d: {  	s5 =	simm.s32 @p1 $0x1;
	p0 =	seq.s32 s7, s2  }
0x1e: {  	s7 =	smul.u32 @!p0 $0xF7A, s2;
	p2 =	seq.s32 @!p0 s5, $0x0  }
0x1f: {  	s9 =	smul.u32 $0xF7A, s1;
	s8 =	simm.s32 @!p0 $0x1BF5;
	p2 =	por !p2, p0  }
0x20: {  	[sflag:s8] =	ssyncset.s32 @!p0 $0xFFFFF086;
	s6 =	sadd.s32 @!p0 s3, s7;
	s7 =	simm.s32 @!p0 $0x108  }
0x21: {  	s3 =	sadd.s32 s3, s9;
	s6 =	sadd.s32 @!p0 $0x88, s6;
	s7 =	simm.s32 @p2 $0x1082  }
0x22: {  	[simem:s7], [sflag:s8] =	dma.local @!p0 [hbm:s6], $0xF7A  }
0x23: {  	s9 =	sor.u32 $0xD0000000, s2;
	s6 =	simm.s32 $0x108;
	_ =	swait.ge @!p0 [sflag:s8], $0x0  }
0x24: {  	s3 =	sadd.s32 $0x88, s3;
	s6 =	simm.s32 @!p1 $0x1082;
	[sflag:s4] =	ssyncset.s32 $0xFFFFF086  }
0x25: {  	[simem:s6], [sflag:s4] =	dma.local [hbm:s3], $0xF7A  }
0x26: {  	[smem:$0x3F9D] =	sst s1;
	(tag) =	ssettag s2;
	_ =	strace s9  }
0x27: {  	s1 =	sld [smem:$0x3FAD]  }
0x28: {  	s2 =	sld [smem:$0x3FAE]  }
0x29: {  	s4 =	sld [smem:$0x3FB0]  }
0x2a: {  	p0 =	seq.s32 s5, $0x0;
	s5 =	sld [smem:$0x3FB1]  }
0x2b: {  	s6 =	sld [smem:$0x3FB2]  }
0x2c: {  	s7 =	sld [smem:$0x3FB3]  }
0x2d: {  	s3 =	simm.s32 $0x108;
	s8 =	sld [smem:$0x3FB4]  }
0x2e: {  	s3 =	simm.s32 @!p0 $0x1082;
	s9 =	sld [smem:$0x3FB5]  }
0x2f: {  	lr =	sadd.s32 s0, s3;
	s0 =	sld [smem:$0x3FAC]  }
0x30: {  	s3 =	sld [smem:$0x3FAF]  }
0x31: {  	[smem:$0x3FB8] =	sst s10  }
0x32: {  	s10 =	sld [smem:$0x3FB6];
	_ =	sdelay $0x3  }
0x33: {  	p0 =	seq.s32 s10, $0x1;
	s10 =	sld [smem:$0x3FB8];
	_ =	sdelay $0x3  }
0x34: {  	[smem:$0x3FB8] =	sst s10  }
0x35: {  	s10 =	sld [smem:$0x3FB7];
	_ =	sdelay $0x3  }
0x36: {  	p1 =	seq.s32 s10, $0x1;
	s10 =	sld [smem:$0x3FB8];
	_ =	sdelay $0x3  }
0x37: {  	[smem:$0x3FB8] =	sst s10  }
0x38: {  	s10 =	sld [smem:$0x3FB9]  }
0x39: {  	_ = 	snop;
	(pc) =	sbr.ind lr, $3  }
0x3a: {  	_ = 	snop  }
0x3b: {  	_ = 	snop  }
0x3c: {  	p2 =	seq.s32 s10, $0x1;
	s10 =	sld [smem:$0x3FB8]  }
0x3d: {  	_ =	shalt  }
0x3e: {  	_ =	shalt  }
0x3f: {  	_ =	shalt  }
0x40: {  	_ =	shalt  }
0x41: {  	_ =	shalt  }
0x42: {  	_ =	shalt  }
0x43: {  	_ =	shalt  }
0x44: {  	_ =	shalt  }
0x45: {  	_ =	shalt  }
0x46: {  	_ =	shalt  }
0x47: {  	_ =	shalt  }
0x48: {  	_ =	shalt  }
0x49: {  	_ =	shalt  }
0x4a: {  	_ =	shalt  }
0x4b: {  	_ =	shalt  }
0x4c: {  	_ =	shalt  }
0x4d: {  	_ =	shalt  }
0x4e: {  	_ =	shalt  }
0x4f: {  	_ =	shalt  }
0x50: {  	_ =	shalt  }
0x51: {  	_ =	shalt  }
0x52: {  	_ =	shalt  }
0x53: {  	_ =	shalt  }
0x54: {  	_ =	shalt  }
0x55: {  	_ =	shalt  }
0x56: {  	_ =	shalt  }
0x57: {  	_ =	shalt  }
0x58: {  	_ =	shalt  }
0x59: {  	_ =	shalt  }
0x5a: {  	_ =	shalt  }
0x5b: {  	_ =	shalt  }
0x5c: {  	_ =	shalt  }
0x5d: {  	_ =	shalt  }
0x5e: {  	_ =	shalt  }
0x5f: {  	_ =	shalt  }
0x60: {  	_ =	shalt  }
0x61: {  	_ =	shalt  }
0x62: {  	_ =	shalt  }
0x63: {  	_ =	shalt  }
0x64: {  	_ =	shalt  }
0x65: {  	_ =	shalt  }
0x66: {  	_ =	shalt  }
0x67: {  	_ =	shalt  }
0x68: {  	_ =	shalt  }
0x69: {  	_ =	shalt  }
0x6a: {  	_ =	shalt  }
0x6b: {  	_ =	shalt  }
0x6c: {  	_ =	shalt  }
0x6d: {  	_ =	shalt  }
0x6e: {  	_ =	shalt  }
0x6f: {  	_ =	shalt  }
0x70: {  	_ =	shalt  }
0x71: {  	_ =	shalt  }
0x72: {  	_ =	shalt  }
0x73: {  	_ =	shalt  }
0x74: {  	_ =	shalt  }
0x75: {  	_ =	shalt  }
0x76: {  	_ =	shalt  }
0x77: {  	_ =	shalt  }
0x78: {  	_ =	shalt  }
0x79: {  	_ =	shalt  }
0x7a: {  	_ =	shalt  }
0x7b: {  	_ =	shalt  }
0x7c: {  	_ =	shalt  }
0x7d: {  	_ =	shalt  }
0x7e: {  	_ =	shalt  }
0x7f: {  	_ =	shalt  }
0x80: {  	_ =	shalt  }
0x81: {  	_ =	shalt  }
0x82: {  	_ =	shalt  }
0x83: {  	_ =	shalt  }
0x84: {  	_ =	shalt  }
0x85: {  	_ =	shalt  }
0x86: {  	_ =	shalt  }
0x87: {  	_ =	shalt  }
.Lfunc_end0:
.L_simem_size_0:
called_computation_lowered:
.L_overlay_start_0:
0x88: {  	s2 =	sld [smem:$0x3FD9]  }
0x89: {  	s3 =	sld [smem:$0x3FFE];
	_ =	sdelay $0x1  }
0x8a: {  	s1 =	srdreg.scid  }
0x8b: {  	s0 =	sand.u32 $0x1, s1  }
0x8c: {  	s17 =	sshll.u32 s0, $0xA;
	s2 =	sadd.s32 s3, s2  }
0x8d: {  	s2 =	sadd.s32 s2, s17  }
0x8e: {  	[smem:$0x3FC4] =	sst s2  }
0x8f: {  	_ = 	snop  }
0x90: {  	s2 =	sld [smem:$0x3FC9]  }
0x91: {  	s18 =	sld [smem:$0x3FC8]  }
0x92: {  	s4 =	sld [smem:$0x3FC7]  }
0x93: {  	s5 =	sld [smem:$0x3FC6];
	(tm) =	ssettm $0x1  }
0x94: {  	s6 =	sld [smem:$0x3FFB];
	_ =	sdelay $0x3  }
0x95: {  	_ =	strace s6  }
0x96: {  	s6 =	sld [smem:$0x3FFC];
	_ =	sdelay $0x3  }
0x97: {  	_ =	strace s6  }
0x98: {  	s6 =	sld [smem:$0x3FFD];
	_ =	sdelay $0x3  }
0x99: {  	_ =	strace s6  }
0x9a: {  	_ =	strace $0x8FFFFFFF  }
0x9b: {  	s19 =	sld [smem:$0x3FDB];
	_ =	sdelay $0x1  }
0x9c: {  	s7 =	simm.s32 $_scs_section_size  }
0x9d: {  	s8 =	simm.s32 $_size__tile_overlayer_lowered;
	s9 =	simm.s32 $_tile_overlayer_lowered  }
0x9e: {  	s22 =	simm.s32 $0x1BFF;
	s21 =	sshll.u32 s9, $0x1;
	s6 =	sadd.s32 s7, s19  }
0x9f: {  	s10 =	simm.s32 $0x0;
	s20 =	sshll.u32 s8, $0x1;
	s8 =	sadd.s32 s21, s6  }
0xa0: {  	[timem:s10], [sflag:s22] =	dma.local [hbm:s8], s20  }
0xa1: {  	_ =	swait.ge [sflag:s22], s20  }
0xa2: {  	s7 =	ssub.s32 $0x0, s20;
	[sflag:s22] =	ssyncset.done $0x0  }
0xa3: {  	[sflag:s22] =	ssyncadd.s32 s7;
	_ =	sdelay $0x1  }
0xa4: {  	s23 =	simm.s32 $0x1B8B  }
0xa5: {  	_ =	swait.ge [sflag:s23], $0x1  }
0xa6: {  	[sflag:s23] =	ssyncset.done $0x0  }
0xa7: {  	s25 =	simm.s32 $0x1B8E;
	s24 =	sld [smem:$0x3FFE];
	[sflag:s23] =	ssyncadd.s32 $0xFFFFFFFF  }
0xa8: {  	s26 =	simm.s32 $execute0_lowered;
	[smem:$0x3FD2] =	sst s25  }
0xa9: {  	s8 =	sshll.u32 s26, $0x1;
	_ =	strace $0x80000046;
	[dreg:$0x1] =	wrdreg $0xFFFFFFFF  }
0xaa: {  	s28 =	simm.s32 $_size_execute0_lowered;
	s6 =	sadd.s32 s6, s8;
	[dreg:$0x0] =	wrdreg $0x0  }
0xab: {  	s8 =	sshll.u32 s28, $0x1;
	[dreg:$0x2] =	wrdreg s6  }
0xac: {  	[dreg:$0x3] =	wrdreg s8  }
0xad: {  	[dreg:$0x4] =	wrdreg $0xC0  }
0xae: {  	_ =	task [dreg:s10], $0x5FFFF  }
0xaf: {  	[dreg:$0x1] =	wrdreg $0xFFFFFFFF  }
0xb0: {  	[dreg:$0x0] =	wrdreg $0x60  }
0xb1: {  	[dreg:$0x2] =	wrdreg s2  }
0xb2: {  	[dreg:$0x3] =	wrdreg s18  }
0xb3: {  	[dreg:$0x4] =	wrdreg s4  }
0xb4: {  	[dreg:$0x5] =	wrdreg s5  }
0xb5: {  	[dreg:$0x6] =	wrdreg s24  }
0xb6: {  	[dreg:$0x7] =	wrdreg $0x9  }
0xb7: {  	_ =	task.clear_ibuf [dreg:s10], $0x8FFFF;
	_ =	strace $0x90000046  }
0xb8: {  	s29 =	simm.s32 $0x9;
	_ =	strace $0x80000048  }
0xb9: {  	_ =	swait.ge [sflag:s29], $0x1  }
0xba: {  	[sflag:s29] =	ssyncadd.s32 $0xFFFFFFFF  }
0xbb: {  	_ =	strace $0x90000048  }
0xbc: {  	_ =	sfence  }
0xbd: {  	s30 =	sld [smem:$0x0];
	_ =	sdelay $0x2  }
0xbe: {  	s31 =	sshll.u32 s1, $0xD;
	s1 =	sshrl.u32 s1, $0x2  }
0xbf: {  	s3 =	sand.u32 $0x4000, s31;
	s1 =	sadd.s32 s1, s30  }
0xc0: {  	s0 =	sor.u32 s3, s0;
	s1 =	sshll.u32 s1, $0x11  }
0xc1: {  	s0 =	sor.u32 s1, s0  }
0xc2: {  	s0 =	sadd.s32 $0x8F2B, s0  }
0xc3: {  	[sflag:s0] =	ssyncadd.remote.s32 $0x1  }
0xc4: {  	_ =	sfence.sel $0xFFFF  }
0xc5: {  	[dreg:$0x0] =	wrdreg $0xFFFFFFFF;
	(pc) =	sbr.abs _section_cstart, $3  }
0xc6: {  	[dreg:$0x1] =	wrdreg $0xFFFFFFFF  }
0xc7: {  	_ =	task.clear_ibuf [dreg:s10], $0x2FFFF;
	_ =	strace $0x9FFFFFFF  }
0xc8: {  	(tm) =	ssettm $0x7FFFFFFF  }
0xc9: {  	_ =	shalt  }
tec
execute0_lowered:
.L_overlay_start_1:
0x0: {  	(tag) =	ssettag $0x1  }
0x1: {  	s0 =	rddreg [dreg:$0x0]  }
0x2: {  	s2 =	rddreg [dreg:$0x1]  }
0x3: {  	s3 =	rddreg [dreg:$0x2]  }
0x4: {  	s5 =	rddreg [dreg:$0x3]  }
0x5: {  	s4 =	srdreg.scid;
	s1 =	stileid.u32  }
0x6: {  	s7 =	rddreg [dreg:$0x4];
	s12 =	simm.s32 $0x1F4;
	s13 =	simm.s32 $0x200  }
0x7: {  	s14 =	simm.s32 $0x1;
	s15 =	simm.s32 $0x3;
	s16 =	simm.s32 $0x4  }
0x8: {  	v1 =	vimm.s32 $0xFFEDCBA9;
	v2 =	vimm.s32 $0x87654321;
	s17 =	simm.s32 $0xDA00;
	s18 =	simm.s32 $0x2;
	s19 =	simm.s32 $0x80  }
0x9: {  	s20 =	simm.s32 $0x400;
	s21 =	simm.s32 $0x0;
	s8 =	sand.u32 $0x1, s4;
	v3 =	vunpack.c.l.s4.s8 v1;
	v4 =	vunpack.c.l.s4.s8 v2  }
0xa: {  	s6 =	sshll.u32 s1, $0x1;
	s4 =	rddreg [dreg:$0x5];
	s10 =	sshrl.u32 s1, $0x2  }
0xb: {  	v0 =	vlaneseq.u32;
	s9 =	sor.u32 s8, s6;
	s6 =	simm.s32 $0x0;
	s10 =	smul.u32 $0x6400, s10;
	v6 =	vunpack.c.0.s8.s32 v3;
	v7 =	vunpack.c.0.s8.s32 v4  }
0xc: {  	vm13 =	vcmask $0x3F3C;
	v8 =	vmul.u32 $0x100, v0;
	s8 =	ssub.s32 $0x2, s8;
	s11 =	sshll.u32 s9, $0x7;
	s9 =	smul.u32 $0xC35, s9  }
.Ltmp0:
0xd: {  	vm14 =	vmmov $0x7fff;
	v9 =	vmul.u32 $0x10, v0;
	[smem:$0x7FF] =	sst s6;
	s11 =	sand.u32 $0x380, s11;
	v10 =	vcombine.low v7, v6;
	(pc) =	sbr.rel .LBB2_1-.Ltmp0, $4  }
0xe: {  	v5 =	vmul.u32 $0x3200, v0;
	s31 =	sshrl.u32 s8, $0x1;
	_ =	strace $0x80000047;
	s10 =	sor.u32 s10, s11;
	v1 =	vmov s9;
	v6 =	vor.u32 $0xFF, v8  }
0xf: {  	s8 =	ssub.s32 s8, s31;
	s9 =	sadd.s32 $0xC35, s9;
	v8 =	vor.u32 $0xF, v9;
	s10 =	sshrl.u32 s10, $0x3;
	v9 =	vand.u32 $0xF, v10;
	v10 =	vimm.s32 $0x0  }
0x10: {  	v3 =	vadd.s32 $0x31FF, v5;
	v4 =	vimm.s32 $0x7FFFFFFF;
	s8 =	smax.u32 s8, $0x1;
	s11 =	simm.s32 $0xE690;
	s7 =	sadd.s32 s10, s7;
	v10 =	vsel vm14, $0xFFFFFFFF, v10  }
0x11: {  	v5 =	vimm.f32 $0.0e+00;
	v7 =	vimm.s32 $0x0;
	v2 =	vmov s9;
	s9 =	simm.s32 $0xE680;
	s10 =	simm.s32 $0x5;
	s7 =	sadd.s32 $0x400, s7;
	[tilespmem:$0x1FFF0] =	vst v10  }
.LBB2_16:
0x12: {  	s21 =	sadd.s32 $0x1, s21  }
0x13: {  	p0 =	sne.s32 s21, s8  }
.Ltmp1:
0x14: {  	_ = 	snop;
	(pc) =	sbr.rel @!p0 .LBB2_17-.Ltmp1, $4  }
0x15: {  	[hbm4b:s7+s19] =	stream.strided.scatter [tilespmem:s17], [sflag:$0x5], $0xC80, s20, s19, $0x38;
	[tilespmem:$0xE700] =	vst v63  }
0x16: {  	_ =	swait.ge [sflag:s10], $0xC80  }
0x17: {  	[sflag:s10] =	ssyncset.done $0x0  }
0x18: {  	[sflag:s10] =	ssyncadd.s32 $0xFFFFF380  }
.LBB2_1:
0x19: {  	[tilespmem:s9], [sflag:$0x5] =	stream.linear.gather [hbm4b:s3+s6], $0x10, $0x38;
	[tilespmem:$0xE700] =	vst v63  }
0x1a: {  	v10 =	vmov s6;
	_ =	swait.ge [sflag:s10], $0x10  }
0x1b: {  	v10 =	vmul.u32 $0x3200, v10;
	[sflag:s10] =	ssyncset.done $0x0  }
0x1c: {  	s22 =	simm.s32 $0x10;
	[sflag:s10] =	ssyncadd.s32 $0xFFFFFFF0  }
0x1d: {  	v11 =	vmov s22;
	v10 =	vbroadcast v10, $0x0;
	[tilespmem:s11], [sflag:$0x5] =	stream.linear.gather [hbm4b:s5+s6], $0x10, $0x38;
	[tilespmem:$0xE700] =	vst v63  }
0x1e: {  	v11 =	vmul.u32 $0x3200, v11;
	_ =	swait.ge [sflag:s10], $0x10  }
0x1f: {  	v12 =	vadd.s32 v3, v10;
	[sflag:s10] =	ssyncset.done $0x0  }
0x20: {  	v13 =	vbroadcast v11, $0x0;
	vm0 =	vlt.s32 v12, $0x61A7FF;
	[sflag:s10] =	ssyncadd.s32 $0xFFFFFFF0  }
0x21: {  	v12 =	vnsel vm0, $0x61A7FF, v12;
	v10 =	vld [tilespmem:$0xE680]  }
0x22: {  	s23 =	simm.s32 $0x20;
	s22 =	simm.s32 $0x0;
	v11 =	vld [tilespmem:$0xE690];
	[tilespmem:s6+$0x0] =	vst v12;
	v12 =	vadd.s32 v3, v13  }
.LBB2_2:
0x23: {  	v13 =	vmov s23;
	p0 =	sne.s32 s23, $0x1F0;
	s23 =	sadd.s32 $0x10, s23;
	vm0 =	vlt.s32 v12, $0x61A7FF  }
.Ltmp2:
0x24: {  	s22 =	sadd.s32 $0x10, s22;
	v13 =	vmul.u32 $0x3200, v13;
	v12 =	vnsel vm0, $0x61A7FF, v12;
	(pc) =	sbr.rel @p0 .LBB2_2-.Ltmp2, $3  }
0x25: {  	[tilespmem:s22+$0x0] =	vst v12  }
0x26: {  	v12 =	vbroadcast v13, $0x0;
	_ =	sdelay $0x1  }
0x27: {  	v12 =	vadd.s32 v3, v12  }
0x28: {  	vm0 =	vlt.s32 v12, $0x61A7FF  }
0x29: {  	s22 =	sadd.s32 $0x10, s22;
	v12 =	vnsel vm0, $0x61A7FF, v12  }
0x2a: {  	s23 =	simm.s32 $0x1F0;
	[tilespmem:s22+$0x0] =	vst v12;
	s22 =	simm.s32 $0x800  }
.LBB2_4:
0x2b: {  	p0 =	sne.s32 s22, $0x3FC0;
	[tilespmem:s23+$0x200] =	vst v4;
	s23 =	smov.u32 s22;
	s22 =	sadd.s32 $0x40, s22  }
.Ltmp3:
0x2c: {  	(pc) =	sbr.rel @p0 .LBB2_4-.Ltmp3, $2  }
0x2d: {  	_ =	sdelay $0x2  }
0x2e: {  	s23 =	sshra.s32 s23, $0x2  }
0x2f: {  	[tilespmem:s23+$0x200] =	vst v4;
	s22 =	simm.s32 $0x0  }
0x30: {  	[tilespmem:s13], [sflag:$0x1] =	stream.indirect.gather [hbm4b:s2+s12], $0x1, s22, s12, $0xb8;
	[tilespmem:$0xE700] =	vst v63  }
0x31: {  	_ =	swait.ge [sflag:s14], $0x1F4  }
0x32: {  	[sflag:s14] =	ssyncset.done $0x0  }
0x33: {  	s23 =	simm.s32 $0x0;
	s22 =	simm.s32 $0x40;
	[sflag:s14] =	ssyncadd.s32 $0xFFFFFE0C  }
.LBB2_6:
0x34: {  	p0 =	sne.s32 s22, $0x31C0;
	[tilespmem:s23+$0xDA00] =	vst v5;
	s23 =	smov.u32 s22;
	s22 =	sadd.s32 $0x40, s22  }
.Ltmp4:
0x35: {  	(pc) =	sbr.rel @p0 .LBB2_6-.Ltmp4, $2  }
0x36: {  	_ =	sdelay $0x2  }
0x37: {  	s23 =	sshra.s32 s23, $0x2  }
0x38: {  	_ =	sdelay $0x2  }
0x39: {  	[tilespmem:s23+$0xDA00] =	vst v5  }
0x3a: {  	v12 =	vld.idx.msk [tilespmem:v6+s13+$0x0], $0xffff;
	_ =	sdelay $0x4  }
0x3b: {  	vm0 =	vlt.s32 v12, v1  }
0x3c: {  	v13 =	vsel vm0, $0x1, v7  }
0x3d: {  	(xrf0) =	vadd.scan.msk.s32 $0xffff, v13;
	_ =	sdelay $0x5  }
0x3e: {  	v13, _, _ =	vpop (xrf0)  }
0x3f: {  	(v2sf) =	vpush v13, $0xF;
	_ =	sdelay $0xe  }
0x40: {  	s22 =	spop (v2sf)  }
0x41: {  	s22 =	sshll.u32 s22, $0x8  }
0x42: {  	v58 =	vor.u32 s22, v8;
	_ =	sdelay $0x4  }
0x43: {  	v13 =	vld.idx.msk [tilespmem:v58+s13+$0x0], $0xffff;
	_ =	sdelay $0x4  }
0x44: {  	vm7 =	vlt.s32 v13, v1  }
0x45: {  	v13 =	vsel vm7, $0x1, v7  }
0x46: {  	(xrf0) =	vadd.scan.msk.s32 $0xffff, v13;
	_ =	sdelay $0x5  }
0x47: {  	v13, _, _ =	vpop (xrf0)  }
0x48: {  	(v2sf) =	vpush v13, $0xF;
	_ =	sdelay $0xe  }
0x49: {  	s29 =	spop (v2sf)  }
0x4a: {  	s23 =	sshll.u32 s29, $0x4  }
0x4b: {  	s22 =	sadd.s32 s22, s23  }
0x4c: {  	v59 =	vor.u32 s22, v0;
	_ =	sdelay $0x4  }
0x4d: {  	v13 =	vld.idx.msk [tilespmem:v59+s13+$0x0], $0xffff;
	_ =	sdelay $0x4  }
0x4e: {  	vm8 =	vlt.s32 v13, v1  }
0x4f: {  	vm9 =	vlt.s32 v12, v2;
	v13 =	vsel vm8, $0x1, v7  }
0x50: {  	v12 =	vsel vm9, $0x1, v7;
	(xrf0) =	vadd.scan.msk.s32 $0xffff, v13  }
0x51: {  	(xrf0) =	vadd.scan.msk.s32 $0xffff, v12;
	_ =	sdelay $0x4  }
0x52: {  	v60, _, _ =	vpop (xrf0)  }
0x53: {  	(v2sf) =	vpush v60, $0xF;
	v61, _, _ =	vpop (xrf0)  }
0x54: {  	(v2sf) =	vpush v61, $0xF;
	_ =	sdelay $0xd  }
0x55: {  	s30 =	spop (v2sf)  }
0x56: {  	s24 =	spop (v2sf)  }
0x57: {  	s24 =	sshll.u32 s24, $0x8  }
0x58: {  	v62 =	vor.u32 s24, v8;
	_ =	sdelay $0x4  }
0x59: {  	v12 =	vld.idx.msk [tilespmem:v62+s13+$0x0], $0xffff;
	_ =	sdelay $0x4  }
0x5a: {  	vm10 =	vlt.s32 v12, v2  }
0x5b: {  	v12 =	vsel vm10, $0x1, v7  }
0x5c: {  	(xrf0) =	vadd.scan.msk.s32 $0xffff, v12;
	_ =	sdelay $0x5  }
0x5d: {  	v12, _, _ =	vpop (xrf0)  }
0x5e: {  	(v2sf) =	vpush v12, $0xF;
	_ =	sdelay $0xe  }
0x5f: {  	s25 =	spop (v2sf)  }
0x60: {  	s25 =	sshll.u32 s25, $0x4  }
0x61: {  	s24 =	sadd.s32 s24, s25  }
0x62: {  	v63 =	vor.u32 s24, v0;
	_ =	sdelay $0x4  }
0x63: {  	v12 =	vld.idx.msk [tilespmem:v63+s13+$0x0], $0xffff;
	_ =	sdelay $0x4  }
0x64: {  	vm11 =	vlt.s32 v12, v2  }
0x65: {  	v12 =	vsel vm11, $0x1, v7  }
0x66: {  	(xrf0) =	vadd.scan.msk.s32 $0xffff, v12;
	_ =	sdelay $0x5  }
0x67: {  	v12, _, _ =	vpop (xrf0)  }
0x68: {  	(v2sf) =	vpush v12, $0xF;
	_ =	sdelay $0xe  }
0x69: {  	s22 =	sadd.s32 s30, s22;
	s31 =	spop (v2sf)  }
0x6a: {  	p0 =	slt.s32 s22, $0x1F3;
	s23 =	sadd.s32 s24, s31  }
0x6b: {  	s22 =	simm.s32 @!p0 $0x1F3;
	s23 =	sadd.s32 $0x1, s23  }
0x6c: {  	p0 =	sle.s32 s23, s22  }
0x6d: {  	s24 =	smul.u32 @!p0 $0x3200, s22;
	_ =	sdelay $0x1  }
0x6e: {  	p1 =	slt.s32 s23, $0x1F4;
	s24 =	sshrl.u32 @!p0 s24, $0x3  }
0x6f: {  	s26 =	simm.s32 @!p0 $0x0;
	s28 =	simm.s32 @!p0 $0x1200;
	s25 =	sadd.s32 @!p0 s2, s24  }
0x70: {  	[tilespmem:s28], [sflag:$0x1] =	stream.linear.gather @!p0 [hbm4b:s25+s26], $0x3200, $0x38;
	[tilespmem:$0xE700] =	vst v63  }
0x71: {  	s23 =	simm.s32 @!p1 $0x1F4;
	s25 =	sadd.s32 $0x1, s22  }
0x72: {  	p1 =	sge.s32 s25, s23  }
0x73: {  	s24 =	sadd.s32 @!p0 s0, s24;
	s28 =	simm.s32 @!p0 $0x7600;
	s25 =	smul.u32 @!p1 $0x3200, s25  }
0x74: {  	[tilespmem:s28], [sflag:$0x2] =	stream.linear.gather @!p0 [hbm4b:s24+s26], $0x3200, $0x38;
	[tilespmem:$0xE700] =	vst v63  }
0x75: {  	s24 =	sshrl.u32 @!p1 s25, $0x3  }
0x76: {  	s26 =	simm.s32 @!p1 $0x0;
	s28 =	simm.s32 @!p1 $0x4400;
	s25 =	sadd.s32 @!p1 s2, s24  }
0x77: {  	[tilespmem:s28], [sflag:$0x3] =	stream.linear.gather @!p1 [hbm4b:s25+s26], $0x3200, $0x38;
	[tilespmem:$0xE700] =	vst v63  }
0x78: {  	s24 =	sadd.s32 @!p1 s0, s24;
	s25 =	simm.s32 @!p1 $0xA800  }
0x79: {  	[tilespmem:s25], [sflag:$0x4] =	stream.linear.gather @!p1 [hbm4b:s24+s26], $0x3200, $0x38;
	[tilespmem:$0xE700] =	vst v63  }
0x7a: {  	s24 =	ssub.s32 s23, s22  }
0x7b: {  	p0 =	slt.s32 s24, $0x1  }
.Ltmp5:
0x7c: {  	_ = 	snop;
	(pc) =	sbr.rel @!p0 .LBB2_8-.Ltmp5, $4  }
.Ltmp6:
0x7d: {  	_ = 	snop;
	(pc) =	sbr.rel @p0 .LBB2_16-.Ltmp6, $4  }
0x7e: {  	_ = 	snop  }
0x7f: {  	_ = 	snop  }
0x80: {  	s25 =	simm.s32 $0x0  }
0x81: {  	_ = 	snop  }
.LBB2_11:
0x82: {  	vm10 =	vmand vm9, vm1;
	vm0 =	vmand vm0, vm11;
	v30 =	vsub.s32 v40, v1  }
0x83: {  	vm2 =	vmand vm2, vm4;
	v55 =	vimm.s32 $0x0;
	v39 =	vsub.s32 v39, v1  }
0x84: {  	v34 =	vsub.s32 v34, v1;
	vm4 =	vcmask $0x3F3C;
	v56 =	vperm.xlane v30, v9  }
0x85: {  	v44 =	vimm.s32 $0x0;
	v31 =	vsub.s32 v31, v1;
	v47 =	vimm.s32 $0x0  }
0x86: {  	(xrf2) =	vadd.scan.msk.f32 $0xffff, v32;
	v32 =	vsel vm2, $0xFFFFFFFF, v55;
	vm9 =	vlt.u32 v39, $0xC80;
	vm1 =	vne.s32 v30, v56  }
0x87: {  	[tilespmem:$0x1FF60] =	vst v32;
	v44 =	vsel vm9, $0xFFFFFFFF, v44;
	vm13 =	vmor vm1, vm4;
	vm4 =	vlt.u32 v31, $0xC80  }
0x88: {  	vm7 =	vmand vm7, vm8;
	v42 =	vperm.xlane v34, v9;
	v41 =	vld [tilespmem:s28+$0xFFFFFF80];
	[tilespmem:$0x1FF80] =	vst v44;
	v47 =	vsel vm4, $0xFFFFFFFF, v47  }
0x89: {  	v33 =	vsub.s32 v33, v1;
	vm11 =	vmand vm0, vm14;
	vm8 =	vmand vm7, vm14;
	[tilespmem:$0x1FF70] =	vst v47  }
0x8a: {  	vm7 =	vlt.u32 v56, $0xC80;
	vm15 =	vne.s32 v34, v42;
	[tilespmem:v18+s17+$0x0] =	vst.idx.add.f32.msk vm6, v28;
	vm6 =	vcmask $0x3F3C  }
0x8b: {  	v57, _, _ =	vpop (xrf2);
	vm12 =	vlt.u32 v34, $0xC80;
	vm14 =	vmand vm1, vm7;
	vm1 =	vmor vm15, vm6;
	v61 =	vld [tilespmem:$0x1FFF0]  }
0x8c: {  	v62 =	vperm.xlane v12, v9;
	vm0 =	vlt.u32 v30, $0xC80;
	v43, _, _ =	vpop (xrf2);
	[tilespmem:v20+s17+$0x0] =	vst.idx.add.f32.msk vm5, v25;
	vm2 =	vmand vm12, vm1  }
0x8d: {  	v63 =	vperm.xlane v33, v9;
	(xrf2) =	vadd.scan.msk.f32 $0xffff, v24;
	v58 =	vsub.f32 $0.0e+00, v43;
	[tilespmem:v29+s17+$0x0] =	vst.idx.add.f32.msk vm3, v38  }
0x8e: {  	(xrf2) =	vadd.scan.msk.f32 $0xffff, v23;
	vm13 =	vmand vm0, vm13;
	vm4 =	vcmask $0x3F3C;
	[tilespmem:v37+s17+$0x0] =	vst.idx.add.f32.msk vm10, v43  }
0x8f: {  	vm6 =	vlt.u32 v42, $0xC80;
	v41 =	vsub.s32 v41, v1;
	vm5 =	vlt.u32 v33, $0xC80;
	[tilespmem:v35+s17+$0x0] =	vst.idx.add.f32.msk vm11, v58  }
0x90: {  	vm3 =	vne.s32 v33, v63;
	vm6 =	vmand vm15, vm6;
	v43 =	vld [tilespmem:$0x1FFF0];
	vm9 =	vnez.u8 v61  }
0x91: {  	vm1 =	vne.s32 v12, v62;
	vm15 =	vlt.u32 v12, $0xC80;
	[tilespmem:v27+s17+$0x0] =	vst.idx.add.f32.msk vm8, v36;
	vm12 =	vmand vm14, vm9  }
0x92: {  	v46, _, _ =	vpop (xrf2);
	vm10 =	vmor vm1, vm4;
	vm4 =	vcmask $0x3F3C;
	vm9 =	vlt.u32 v63, $0xC80;
	[tilespmem:v34+s17+$0x0] =	vst.idx.add.f32.msk vm2, v57  }
0x93: {  	v59, _, _ =	vpop (xrf2);
	vm10 =	vmand vm15, vm10;
	vm0 =	vmand vm3, vm9;
	vm3 =	vmor vm3, vm4;
	v44 =	vld [tilespmem:$0x1FFF0]  }
0x94: {  	v38 =	vperm.xlane v41, v9;
	vm11 =	vmand vm5, vm3;
	[tilespmem:v30+s17+$0x0] =	vst.idx.add.f32.msk vm13, v59  }
0x95: {  	v60 =	vsub.f32 $0.0e+00, v59;
	vm14 =	vlt.u32 v62, $0xC80;
	vm9 =	vnez.u8 v43;
	v48 =	vld [tilespmem:$0x1FFF0]  }
0x96: {  	v26 =	vsub.s32 v26, v1;
	vm1 =	vmand vm1, vm14;
	vm14 =	vmand vm0, vm9;
	v49 =	vld [tilespmem:$0x1FF60]  }
0x97: {  	v52 =	vsub.f32 $0.0e+00, v22;
	vm15 =	vcmask $0x3F3C;
	vm5 =	vne.s32 v41, v38;
	[tilespmem:v56+s17+$0x0] =	vst.idx.add.f32.msk vm12, v60  }
0x98: {  	v47, _, _ =	vpop (xrf2);
	vm4 =	vlt.u32 v41, $0xC80;
	vm15 =	vmor vm5, vm15;
	vm9 =	vnez.u8 v44;
	v24 =	vld [tilespmem:$0x1FF70]  }
0x99: {  	v45 =	vperm.xlane v39, v9;
	v50, _, _ =	vpop (xrf2);
	vm0 =	vmand vm4, vm15;
	[tilespmem:v12+s17+$0x0] =	vst.idx.add.f32.msk vm10, v22;
	vm15 =	vmand vm1, vm9  }
0x9a: {  	(xrf2) =	vadd.scan.msk.f32 $0xffff, v21;
	v18 =	vperm.xlane v31, v9;
	v51 =	vsub.f32 $0.0e+00, v50;
	[tilespmem:v33+s17+$0x0] =	vst.idx.add.f32.msk vm11, v50  }
0x9b: {  	v54 =	vsub.f32 $0.0e+00, v19;
	v55 =	vperm.xlane v26, v9;
	vm7 =	vne.s32 v39, v45;
	(xrf2) =	vadd.scan.msk.f32 $0xffff, v17;
	v53 =	vld [tilespmem:$0x1FFF0]  }
0x9c: {  	vm8 =	vlt.u32 v16, $0xC80;
	vm2 =	vne.s32 v14, v16;
	vm3 =	vne.s32 v31, v18;
	[tilespmem:v63+s17+$0x0] =	vst.idx.add.f32.msk vm14, v51  }
0x9d: {  	vm13 =	vcmask $0x3F3C;
	vm4 =	vnez.u8 v48;
	vm9 =	vnez.u8 v49;
	v12 =	vld [tilespmem:$0x1FFF0]  }
0x9e: {  	vm8 =	vmand vm2, vm8;
	vm2 =	vmor vm2, vm13;
	vm4 =	vmand vm9, vm4  }
0x9f: {  	v56 =	vsub.f32 $0.0e+00, v57;
	vm1 =	vmor vm3, vm13;
	vm9 =	vnez.u8 v24;
	[tilespmem:v62+s17+$0x0] =	vst.idx.add.f32.msk vm15, v52  }
0xa0: {  	vm10 =	vlt.u32 v45, $0xC80;
	vm9 =	vmand vm9, vm1;
	vm1 =	vlt.u32 v14, $0xC80;
	v58 =	vld [tilespmem:$0x1FF80]  }
0xa1: {  	vm1 =	vmand vm1, vm2;
	vm2 =	vmand vm7, vm10;
	vm10 =	vnez.u8 v53  }
0xa2: {  	vm11 =	vlt.u32 v38, $0xC80;
	vm6 =	vmand vm6, vm10;
	vm14 =	vnez.u8 v12  }
0xa3: {  	vm5 =	vmand vm5, vm11;
	vm10 =	vlt.u32 v18, $0xC80;
	vm8 =	vmand vm8, vm14  }
0xa4: {  	v57, _, _ =	vpop (xrf2);
	v60 =	vsub.f32 $0.0e+00, v15;
	[tilespmem:v13+s17+$0x0] =	vst.idx.add.f32.msk vm4, v54;
	vm3 =	vmand vm3, vm10;
	vm11 =	vmand vm5, vm14  }
0xa5: {  	v59, _, _ =	vpop (xrf2);
	vm7 =	vmor vm7, vm13;
	[tilespmem:v41+s17+$0x0] =	vst.idx.add.f32.msk vm0, v57;
	vm3 =	vmand vm3, vm14;
	vm12 =	vnez.u8 v58  }
0xa6: {  	vm4 =	vne.s32 v26, v55;
	vm2 =	vmand vm2, vm14;
	[tilespmem:v31+s17+$0x0] =	vst.idx.add.f32.msk vm9, v59;
	vm7 =	vmand vm12, vm7  }
0xa7: {  	vm0 =	vmor vm4, vm13;
	vm10 =	vlt.u32 v55, $0xC80;
	[tilespmem:v14+s17+$0x0] =	vst.idx.add.f32.msk vm1, v15;
	vm12 =	vlt.u32 v26, $0xC80  }
0xa8: {  	v62 =	vsub.f32 $0.0e+00, v57;
	vm4 =	vmand vm4, vm10;
	[tilespmem:v42+s17+$0x0] =	vst.idx.add.f32.msk vm6, v56;
	vm0 =	vmand vm12, vm0  }
0xa9: {  	v12 =	vsub.f32 $0.0e+00, v59;
	vm4 =	vmand vm4, vm14;
	[tilespmem:v16+s17+$0x0] =	vst.idx.add.f32.msk vm8, v60  }
0xaa: {  	s26 =	sadd.s32 $0x2, s26;
	[tilespmem:v38+s17+$0x0] =	vst.idx.add.f32.msk vm11, v62  }
0xab: {  	p0 =	sge.s32 s26, s23;
	v61 =	vsub.f32 $0.0e+00, v47;
	[tilespmem:v18+s17+$0x0] =	vst.idx.add.f32.msk vm3, v12  }
0xac: {  	s26 =	smul.u32 @!p0 $0x3200, s26;
	[tilespmem:v39+s17+$0x0] =	vst.idx.add.f32.msk vm7, v47  }
0xad: {  	v63 =	vsub.f32 $0.0e+00, v46;
	[tilespmem:v45+s17+$0x0] =	vst.idx.add.f32.msk vm2, v61  }
0xae: {  	s26 =	sshrl.u32 @!p0 s26, $0x3;
	[tilespmem:v26+s17+$0x0] =	vst.idx.add.f32.msk vm0, v46  }
0xaf: {  	s29 =	simm.s32 @!p0 $0x0;
	s30 =	simm.s32 @!p0 $0x1200;
	s28 =	sadd.s32 @!p0 s2, s26;
	[tilespmem:v55+s17+$0x0] =	vst.idx.add.f32.msk vm4, v63  }
0xb0: {  	[tilespmem:s30], [sflag:$0x1] =	stream.linear.gather @!p0 [hbm4b:s28+s29], $0x3200, $0x38;
	[tilespmem:$0xE700] =	vst v63  }
0xb1: {  	s26 =	sadd.s32 @!p0 s0, s26;
	s28 =	simm.s32 @!p0 $0x7600  }
0xb2: {  	[tilespmem:s28], [sflag:$0x2] =	stream.linear.gather @!p0 [hbm4b:s26+s29], $0x3200, $0x38;
	[tilespmem:$0xE700] =	vst v63  }
.LBB2_15:
0xb3: {  	s25 =	sadd.s32 $0x1, s25  }
0xb4: {  	p0 =	sne.s32 s25, s24  }
.Ltmp7:
0xb5: {  	_ = 	snop;
	(pc) =	sbr.rel @!p0 .LBB2_16-.Ltmp7, $1  }
0xb6: {  	_ =	sdelay $0x3  }
.LBB2_8:
0xb7: {  	s26 =	sand.u32 $0x1, s25  }
0xb8: {  	p0 =	seq.s32 s26, $0x1  }
.Ltmp8:
0xb9: {  	_ = 	snop;
	(pc) =	sbr.rel @!p0 .LBB2_9-.Ltmp8, $2  }
0xba: {  	_ =	sdelay $0x2  }
0xbb: {  	s26 =	sadd.s32 s22, s25  }
0xbc: {  	_ =	swait.ge [sflag:s15], $0x3200  }
0xbd: {  	[sflag:s15] =	ssyncset.done $0x0  }
0xbe: {  	[sflag:s15] =	ssyncadd.s32 $0xFFFFCE00  }
0xbf: {  	_ =	swait.ge [sflag:s16], $0x3200  }
0xc0: {  	[sflag:s16] =	ssyncset.done $0x0  }
0xc1: {  	s29 =	simm.s32 $0xA880;
	[sflag:s16] =	ssyncadd.s32 $0xFFFFCE00  }
0xc2: {  	s28 =	simm.s32 $0x4480;
	v12 =	vld [tilespmem:s29+$0x70]  }
0xc3: {  	v13 =	vld [tilespmem:s28+$0x70]  }
0xc4: {  	v14 =	vld [tilespmem:s28+$0x50]  }
0xc5: {  	v15 =	vld [tilespmem:s28+$0x20]  }
0xc6: {  	v16 =	vld [tilespmem:s29+$0x40]  }
0xc7: {  	v19 =	vld [tilespmem:s28+$0x60]  }
0xc8: {  	v18 =	vld [tilespmem:s29+$0x50]  }
0xc9: {  	v22 =	vld [tilespmem:s28+$0x40]  }
0xca: {  	v23 =	vld [tilespmem:s29+$0x20]  }
0xcb: {  	v25 =	vld [tilespmem:s29+$0xFFFFFFE0];
	v12 =	vmul.f32 v12, v11  }
0xcc: {  	v37 =	vld [tilespmem:s28+$0xFFFFFFC0]  }
0xcd: {  	v12 =	vadd.f32 v12, v10  }
0xce: {  	v17 =	vld [tilespmem:s28+$0x30];
	v13 =	vsub.s32 v13, v1;
	v28 =	vmul.f32 v18, v11;
	v16 =	vmul.f32 v16, v11  }
0xcf: {  	v14 =	vsub.s32 v14, v1;
	v18 =	vsub.s32 v22, v1;
	v19 =	vsub.s32 v19, v1;
	(xrf2) =	vadd.scan.msk.f32 $0xffff, v12;
	v12 =	vld [tilespmem:s29+$0x60]  }
0xd0: {  	v20 =	vld [tilespmem:s29+$0x30];
	v36 =	vsub.s32 v15, v1;
	v15 =	vmul.f32 v23, v11;
	v21 =	vperm.xlane v13, v9  }
0xd1: {  	v27 =	vld [tilespmem:s29+$0x10];
	v25 =	vmul.f32 v25, v11;
	v37 =	vsub.s32 v37, v1;
	vm4 =	vlt.u32 v19, $0xC80  }
0xd2: {  	vm3 =	vlt.u32 v18, $0xC80;
	v22 =	vadd.f32 v28, v10;
	v28 =	vld [tilespmem:s29+$0xFFFFFFD0];
	vm0 =	vne.s32 v13, v21  }
0xd3: {  	v29 =	vld [tilespmem:s29+$0x0];
	v41 =	vperm.xlane v14, v9;
	vm1 =	vlt.u32 v21, $0xC80;
	vm2 =	vmor vm0, vm13  }
0xd4: {  	v31 =	vld [tilespmem:s29+$0xFFFFFFF0];
	vm1 =	vmand vm0, vm1;
	vm0 =	vlt.u32 v13, $0xC80;
	v12 =	vmul.f32 v12, v11  }
0xd5: {  	v32 =	vld [tilespmem:s29+$0xFFFFFFC0];
	v16 =	vadd.f32 v16, v10;
	v15 =	vadd.f32 v15, v10;
	vm0 =	vmand vm0, vm2  }
0xd6: {  	v33 =	vld [tilespmem:s29+$0xFFFFFFA0];
	v30 =	vadd.f32 v12, v10;
	v12 =	vsub.s32 v17, v1;
	v17 =	vmul.f32 v20, v11  }
0xd7: {  	v23 =	vld [tilespmem:s29+$0xFFFFFFB0];
	vm1 =	vmand vm1, vm14;
	v28 =	vmul.f32 v28, v11;
	v20 =	vmul.f32 v27, v11  }
0xd8: {  	vm2 =	vlt.u32 v41, $0xC80;
	v27 =	vadd.f32 v17, v10;
	v17 =	vmul.f32 v29, v11  }
0xd9: {  	v42 =	vadd.f32 v28, v10;
	(xrf2) =	vadd.scan.msk.f32 $0xffff, v30;
	v29 =	vadd.f32 v20, v10;
	v20 =	vperm.xlane v18, v9;
	v24, _, _ =	vpop (xrf2)  }
0xda: {  	v30 =	vld [tilespmem:s29+$0xFFFFFF90];
	(xrf2) =	vadd.scan.msk.f32 $0xffff, v16;
	v16 =	vmul.f32 v31, v11;
	v26 =	vsub.f32 $0.0e+00, v24;
	v35 =	vadd.f32 v17, v10  }
0xdb: {  	(xrf2) =	vadd.scan.msk.f32 $0xffff, v22;
	v22 =	vmul.f32 v32, v11;
	v17 =	vadd.f32 v25, v10;
	[tilespmem:v13+s17+$0x0] =	vst.idx.add.f32.msk vm0, v24  }
0xdc: {  	v31 =	vld [tilespmem:s29+$0xFFFFFF80];
	v13 =	vmul.f32 v23, v11;
	vm0 =	vne.s32 v14, v41;
	v24 =	vmul.f32 v33, v11  }
0xdd: {  	v16 =	vadd.f32 v16, v10;
	vm6 =	vmor vm0, vm13;
	vm5 =	vmand vm0, vm2  }
0xde: {  	(xrf2) =	vadd.scan.msk.f32 $0xffff, v29;
	vm0 =	vlt.u32 v36, $0xC80;
	vm2 =	vlt.u32 v20, $0xC80;
	v22 =	vadd.f32 v22, v10  }
0xdf: {  	[tilespmem:v21+s17+$0x0] =	vst.idx.add.f32.msk vm1, v26;
	v32 =	vadd.f32 v13, v10;
	vm1 =	vlt.u32 v14, $0xC80;
	v13 =	vperm.xlane v36, v9  }
0xe0: {  	v24 =	vadd.f32 v24, v10;
	v23 =	vmul.f32 v30, v11;
	v30 =	vperm.xlane v19, v9;
	(xrf2) =	vadd.scan.msk.f32 $0xffff, v16  }
0xe1: {  	v34 =	vld [tilespmem:s28+$0x0];
	vm1 =	vmand vm1, vm6;
	vm6 =	vne.s32 v18, v20;
	v21 =	vmul.f32 v31, v11;
	(xrf2) =	vadd.scan.msk.f32 $0xffff, v15  }
0xe2: {  	v16 =	vld [tilespmem:s28+$0xFFFFFFF0];
	vm8 =	vmand vm6, vm2;
	vm2 =	vne.s32 v36, v13;
	vm7 =	vne.s32 v19, v30  }
0xe3: {  	v40 =	vld [tilespmem:s28+$0xFFFFFFB0];
	v23 =	vadd.f32 v23, v10;
	vm10 =	vmor vm2, vm13;
	vm9 =	vmor vm7, vm13;
	v43, _, _ =	vpop (xrf2);
	(xrf2) =	vadd.scan.msk.f32 $0xffff, v27  }
0xe4: {  	v15 =	vld [tilespmem:s28+$0x10];
	vm11 =	vlt.u32 v30, $0xC80;
	v21 =	vadd.f32 v21, v10;
	vm9 =	vmand vm4, vm9  }
0xe5: {  	v39 =	vld [tilespmem:s28+$0xFFFFFFA0];
	vm0 =	vmand vm0, vm10;
	vm10 =	vmand vm5, vm14;
	vm5 =	vmor vm6, vm13;
	v28, _, _ =	vpop (xrf2)  }
0xe6: {  	v33 =	vld [tilespmem:s28+$0xFFFFFF90];
	vm4 =	vmand vm7, vm11;
	vm6 =	vmand vm3, vm5;
	vm5 =	vmand vm8, vm14;
	v26, _, _ =	vpop (xrf2)  }
0xe7: {  	v29 =	vsub.s32 v16, v1;
	v44 =	vsub.f32 $0.0e+00, v43;
	[tilespmem:v14+s17+$0x0] =	vst.idx.add.f32.msk vm1, v26;
	vm1 =	vmand vm4, vm14  }
0xe8: {  	v31 =	vld [tilespmem:s28+$0xFFFFFFE0];
	v27 =	vperm.xlane v29, v9;
	(xrf2) =	vadd.scan.msk.f32 $0xffff, v35;
	vm11 =	vlt.u32 v29, $0xC80;
	v35 =	vperm.xlane v37, v9  }
0xe9: {  	v25 =	vsub.f32 $0.0e+00, v28;
	(xrf2) =	vadd.scan.msk.f32 $0xffff, v22;
	v45 =	vsub.f32 $0.0e+00, v26;
	v14 =	vsub.s32 v15, v1;
	v26 =	vld [tilespmem:s28+$0xFFFFFFD0];
	v15, _, _ =	vpop (xrf2)  }
0xea: {  	vm4 =	vlt.u32 v13, $0xC80;
	vm7 =	vne.s32 v29, v27;
	vm8 =	vlt.u32 v27, $0xC80;
	v38, _, _ =	vpop (xrf2);
	[tilespmem:v19+s17+$0x0] =	vst.idx.add.f32.msk vm9, v43  }
0xeb: {  	(xrf2) =	vadd.scan.msk.f32 $0xffff, v42;
	v16 =	vperm.xlane v14, v9;
	vm3 =	vmor vm7, vm13;
	[tilespmem:v41+s17+$0x0] =	vst.idx.add.f32.msk vm10, v45;
	v19, _, _ =	vpop (xrf2)  }
0xec: {  	vm9 =	vlt.u32 v37, $0xC80;
	vm3 =	vmand vm11, vm3;
	[tilespmem:v36+s17+$0x0] =	vst.idx.add.f32.msk vm0, v19;
	vm0 =	vne.s32 v37, v35  }
0xed: {  	s30 =	simm.s32 $0x0;
	s31 =	simm.s32 $0x4580;
	vm11 =	vlt.u32 v35, $0xC80;
	v36 =	vsub.f32 $0.0e+00, v38;
	[tilespmem:v30+s17+$0x0] =	vst.idx.add.f32.msk vm1, v44;
	vm1 =	vmor vm0, vm13;
	v22, _, _ =	vpop (xrf2)  }
.LBB2_13:
0xee: {  	v41 =	vld [tilespmem:s31+$0x70]  }
0xef: {  	vm9 =	vmand vm9, vm1;
	[tilespmem:v18+s17+$0x0] =	vst.idx.add.f32.msk vm6, v28  }
0xf0: {  	vm0 =	vmand vm0, vm11;
	vm1 =	vmand vm7, vm8;
	vm2 =	vmand vm2, vm4;
	v18 =	vld [tilespmem:s31+$0x50]  }
0xf1: {  	v52 =	vimm.s32 $0x0;
	v53 =	vld [tilespmem:s28+$0xFFFFFF80];
	v56 =	vimm.s32 $0x0;
	v49 =	vperm.xlane v12, v9  }
0xf2: {  	[tilespmem:v29+s17+$0x0] =	vst.idx.add.f32.msk vm3, v38;
	v57 =	vimm.s32 $0x0;
	v58 =	vimm.s32 $0x0;
	vm7 =	vmand vm1, vm14  }
0xf3: {  	vm0 =	vmand vm0, vm14;
	[tilespmem:v20+s17+$0x0] =	vst.idx.add.f32.msk vm5, v25;
	v20 =	vimm.s32 $0x0;
	vm3 =	vlt.u32 v49, $0xC80  }
0xf4: {  	v29 =	vld [tilespmem:s31+$0x20];
	v42 =	vsub.s32 v40, v1;
	v40 =	vsel vm2, $0xFFFFFFFF, v52;
	v28 =	vsub.s32 v39, v1  }
0xf5: {  	v60 =	vld [tilespmem:$0x1FFF0];
	v45 =	vsub.s32 v34, v1;
	v43 =	vperm.xlane v42, v9;
	vm10 =	vlt.u32 v42, $0xC80  }
0xf6: {  	(xrf2) =	vadd.scan.msk.f32 $0xffff, v32;
	v61 =	vld [tilespmem:$0x1FFF0];
	vm8 =	vlt.u32 v45, $0xC80;
	v25 =	vsub.s32 v41, v1;
	vm4 =	vlt.u32 v28, $0xC80  }
0xf7: {  	v63 =	vld [tilespmem:$0x1FFF0];
	v32 =	vperm.xlane v45, v9;
	v41 =	vsub.s32 v33, v1;
	v20 =	vsel vm4, $0xFFFFFFFF, v20;
	v44, _, _ =	vpop (xrf2)  }
0xf8: {  	vm1 =	vne.s32 v42, v43;
	(xrf2) =	vadd.scan.msk.f32 $0xffff, v24;
	v24 =	vperm.xlane v25, v9;
	[tilespmem:v27+s17+$0x0] =	vst.idx.add.f32.msk vm7, v36;
	v54, _, _ =	vpop (xrf2)  }
0xf9: {  	vm2 =	vlt.u32 v43, $0xC80;
	[tilespmem:$0x1FF20] =	vst v20;
	v20 =	vperm.xlane v28, v9;
	v27 =	vld [tilespmem:$0x1FFF0];
	v55 =	vsub.f32 $0.0e+00, v54  }
0xfa: {  	vm11 =	vmor vm1, vm13;
	vm1 =	vmand vm1, vm2;
	[tilespmem:v37+s17+$0x0] =	vst.idx.add.f32.msk vm9, v54;
	vm2 =	vne.s32 v25, v24  }
0xfb: {  	s29 =	sadd.s32 $0x100, s29;
	(xrf2) =	vadd.scan.msk.f32 $0xffff, v23;
	vm6 =	vlt.u32 v24, $0xC80;
	[tilespmem:v35+s17+$0x0] =	vst.idx.add.f32.msk vm0, v55;
	vm0 =	vmor vm2, vm13  }
0xfc: {  	v30 =	vld [tilespmem:s29+$0x60];
	v23, _, _ =	vpop (xrf2);
	(xrf2) =	vadd.scan.msk.f32 $0xffff, v21;
	v35 =	vsub.s32 v31, v1;
	v33 =	vsel vm0, $0xFFFFFFFF, v56;
	vm0 =	vmand vm2, vm6  }
0xfd: {  	v21 =	vld [tilespmem:s29+$0x70];
	v31 =	vimm.s32 $0x0;
	[tilespmem:$0x1FF40] =	vst v33;
	v33 =	vsel vm0, $0xFFFFFFFF, v57;
	vm0 =	vlt.u32 v35, $0xC80  }
0xfe: {  	v38 =	vld [tilespmem:s29+$0x20];
	v50 =	vperm.xlane v41, v9;
	v31 =	vsel vm0, $0xFFFFFFFF, v31;
	vm0 =	vne.s32 v45, v32  }
0xff: {  	v51 =	vld [tilespmem:s31+$0x40];
	vm4 =	vlt.u32 v12, $0xC80;
	vm14 =	vne.s32 v28, v20;
	vm9 =	vmor vm0, vm13  }
0x100: {  	v34 =	vld [tilespmem:s29+$0x40];
	vm15 =	vlt.u32 v20, $0xC80;
	v46, _, _ =	vpop (xrf2);
	vm2 =	vnez.u8 v27;
	vm12 =	vmand vm8, vm9  }
0x101: {  	v39 =	vld [tilespmem:s29+$0x30];
	[tilespmem:$0x1FF00] =	vst v40;
	v47 =	vsub.f32 $0.0e+00, v46;
	vm6 =	vmand vm1, vm2;
	vm2 =	vne.s32 v12, v49  }
0x102: {  	v62 =	vld [tilespmem:$0x1FF00];
	vm1 =	vlt.u32 v50, $0xC80;
	v59 =	vmul.f32 v21, v11;
	vm13 =	vlt.u32 v32, $0xC80  }
0x103: {  	v55 =	vld [tilespmem:s29+$0xFFFFFFE0];
	vm8 =	vmand vm0, vm13;
	vm0 =	vmand vm14, vm15;
	vm13 =	vmand vm10, vm11  }
0x104: {  	v27 =	vld [tilespmem:s31+$0x60];
	[tilespmem:$0x1FF10] =	vst v31;
	v31 =	vperm.xlane v35, v9;
	v36 =	vsel vm0, $0xFFFFFFFF, v58;
	vm0 =	vcmask $0x3F3C  }
0x105: {  	[tilespmem:$0x1FF50] =	vst v33;
	v33 =	vld [tilespmem:s31+$0x30];
	vm15 =	vlt.u32 v41, $0xC80;
	vm11 =	vmor vm14, vm0;
	vm0 =	vcmask $0x3F3C  }
0x106: {  	vm14 =	vne.s32 v41, v50;
	[tilespmem:v45+s17+$0x0] =	vst.idx.add.f32.msk vm12, v44;
	vm12 =	vmor vm2, vm0;
	vm0 =	vcmask $0x3F3C  }
0x107: {  	v21 =	vld [tilespmem:s29+$0xFFFFFFD0];
	vm2 =	vmand vm2, vm3;
	vm0 =	vmor vm14, vm0;
	vm3 =	vmand vm4, vm12  }
0x108: {  	vm10 =	vne.s32 v35, v31;
	[tilespmem:$0x1FF30] =	vst v36;
	v45 =	vld [tilespmem:s29+$0x50];
	vm15 =	vmand vm15, vm0;
	vm0 =	vcmask $0x3F3C  }
0x109: {  	vm1 =	vmand vm14, vm1;
	[tilespmem:v42+s17+$0x0] =	vst.idx.add.f32.msk vm13, v46;
	vm14 =	vmor vm10, vm0;
	vm0 =	vnez.u8 v60  }
0x10a: {  	v26 =	vsub.s32 v26, v1;
	v48 =	vsub.s32 v53, v1;
	v40, _, _ =	vpop (xrf2);
	[tilespmem:v43+s17+$0x0] =	vst.idx.add.f32.msk vm6, v47;
	vm7 =	vmand vm1, vm0  }
0x10b: {  	v52 =	vsub.f32 $0.0e+00, v44;
	v56 =	vperm.xlane v48, v9;
	v53, _, _ =	vpop (xrf2);
	vm6 =	vnez.u8 v62;
	v62 =	vld [tilespmem:$0x1FF30]  }
0x10c: {  	v44 =	vsub.f32 $0.0e+00, v53;
	vm12 =	vne.s32 v14, v16;
	v60 =	vld [tilespmem:$0x1FF20];
	vm0 =	vcmask $0x3F3C  }
0x10d: {  	vm1 =	vlt.u32 v16, $0xC80;
	vm5 =	vmor vm12, vm0;
	vm0 =	vnez.u8 v61;
	[tilespmem:v12+s17+$0x0] =	vst.idx.add.f32.msk vm3, v22  }
0x10e: {  	vm13 =	vmand vm12, vm1;
	vm12 =	vmand vm6, vm0;
	vm0 =	vnez.u8 v63;
	v12 =	vld [tilespmem:$0x1FFF0]  }
0x10f: {  	vm9 =	vlt.u32 v31, $0xC80;
	v36 =	vadd.f32 v59, v10;
	vm2 =	vmand vm2, vm0;
	[tilespmem:v41+s17+$0x0] =	vst.idx.add.f32.msk vm15, v53  }
0x110: {  	vm1 =	vlt.u32 v56, $0xC80;
	vm6 =	vne.s32 v48, v56;
	vm0 =	vcmask $0x3F3C;
	[tilespmem:v50+s17+$0x0] =	vst.idx.add.f32.msk vm7, v44  }
0x111: {  	vm4 =	vlt.u32 v48, $0xC80;
	vm1 =	vmand vm6, vm1;
	vm0 =	vmor vm6, vm0;
	v50 =	vld [tilespmem:$0x1FF10]  }
0x112: {  	(xrf2) =	vadd.scan.msk.f32 $0xffff, v17;
	v22 =	vsub.f32 $0.0e+00, v22;
	vm6 =	vlt.u32 v14, $0xC80;
	v53 =	vld [tilespmem:$0x1FFF0];
	vm3 =	vmand vm4, vm0  }
0x113: {  	v17 =	vld [tilespmem:s29+$0xFFFFFFC0];
	v54, _, _ =	vpop (xrf2);
	(xrf2) =	vadd.scan.msk.f32 $0xffff, v36;
	vm0 =	vnez.u8 v12;
	v12 =	vsub.f32 $0.0e+00, v19;
	v19 =	vperm.xlane v26, v9  }
0x114: {  	v58 =	vsub.f32 $0.0e+00, v15;
	v59 =	vld [tilespmem:s29+$0x10];
	v43 =	vsub.f32 $0.0e+00, v54;
	vm5 =	vmand vm6, vm5  }
0x115: {  	vm4 =	vmand vm1, vm0;
	[tilespmem:v49+s17+$0x0] =	vst.idx.add.f32.msk vm2, v22;
	vm2 =	vnez.u8 v62;
	vm6 =	vlt.u32 v19, $0xC80  }
0x116: {  	[tilespmem:v13+s17+$0x0] =	vst.idx.add.f32.msk vm12, v12;
	v12 =	vmul.f32 v30, v11;
	v30 =	vmul.f32 v45, v11;
	vm0 =	vnez.u8 v50  }
0x117: {  	v36 =	vld [tilespmem:s29+$0xFFFFFFA0];
	vm7 =	vmand vm0, vm14;
	vm14 =	vnez.u8 v53;
	vm0 =	vnez.u8 v60  }
0x118: {  	v42 =	vld [tilespmem:s29+$0xFFFFFFF0];
	v53 =	vmul.f32 v34, v11;
	vm1 =	vmand vm0, vm11;
	vm0 =	vmand vm10, vm9  }
0x119: {  	v47 =	vld [tilespmem:s29+$0x0];
	vm11 =	vmand vm8, vm14;
	vm8 =	vmand vm2, vm14;
	vm2 =	vne.s32 v26, v19  }
0x11a: {  	v13 =	vld [tilespmem:s29+$0xFFFFFFB0];
	vm10 =	vmand vm0, vm14;
	vm0 =	vmand vm13, vm14;
	vm13 =	vcmask $0x3F3C  }
0x11b: {  	[tilespmem:v48+s17+$0x0] =	vst.idx.add.f32.msk vm3, v54;
	v12 =	vadd.f32 v12, v10;
	vm9 =	vlt.u32 v26, $0xC80;
	vm3 =	vmor vm2, vm13  }
0x11c: {  	v46, _, _ =	vpop (xrf2);
	[tilespmem:v14+s17+$0x0] =	vst.idx.add.f32.msk vm5, v15;
	v15 =	vadd.f32 v53, v10;
	vm2 =	vmand vm2, vm6;
	vm6 =	vmand vm9, vm3  }
0x11d: {  	v61, _, _ =	vpop (xrf2);
	v48 =	vsub.s32 v18, v1;
	v18 =	vld [tilespmem:$0x1FF40];
	v14 =	vadd.f32 v30, v10;
	(xrf2) =	vadd.scan.msk.f32 $0xffff, v12  }
0x11e: {  	v37 =	vsub.f32 $0.0e+00, v40;
	[tilespmem:v56+s17+$0x0] =	vst.idx.add.f32.msk vm4, v43;
	(xrf2) =	vadd.scan.msk.f32 $0xffff, v15  }
0x11f: {  	v57 =	vsub.f32 $0.0e+00, v46;
	v54 =	vsub.s32 v29, v1;
	v30 =	vsub.s32 v27, v1;
	(xrf2) =	vadd.scan.msk.f32 $0xffff, v14;
	v14 =	vld [tilespmem:s29+$0xFFFFFF80]  }
0x120: {  	v63 =	vsub.f32 $0.0e+00, v23;
	v27 =	vmul.f32 v55, v11;
	v60 =	vperm.xlane v30, v9;
	[tilespmem:v28+s17+$0x0] =	vst.idx.add.f32.msk vm1, v40  }
0x121: {  	v22 =	vsub.f32 $0.0e+00, v61;
	v12 =	vsub.s32 v33, v1;
	[tilespmem:v20+s17+$0x0] =	vst.idx.add.f32.msk vm8, v37;
	v20 =	vmul.f32 v38, v11  }
0x122: {  	vm5 =	vlt.u32 v30, $0xC80;
	v13 =	vmul.f32 v13, v11;
	v15 =	vmul.f32 v47, v11;
	[tilespmem:v26+s17+$0x0] =	vst.idx.add.f32.msk vm6, v23  }
0x123: {  	vm12 =	vlt.u32 v60, $0xC80;
	vm9 =	vmand vm2, vm14;
	v26 =	vadd.f32 v20, v10;
	v20 =	vld [tilespmem:$0x1FF50]  }
0x124: {  	vm2 =	vnez.u8 v18;
	v18 =	vsub.s32 v51, v1;
	[tilespmem:v35+s17+$0x0] =	vst.idx.add.f32.msk vm7, v46;
	v56 =	vadd.f32 v15, v10  }
0x125: {  	vm3 =	vlt.u32 v25, $0xC80;
	v15 =	vmul.f32 v21, v11;
	[tilespmem:v32+s17+$0x0] =	vst.idx.add.f32.msk vm11, v52;
	v28 =	vmul.f32 v17, v11  }
0x126: {  	vm7 =	vmand vm3, vm2;
	v17 =	vadd.f32 v27, v10;
	v32 =	vadd.f32 v13, v10;
	[tilespmem:v16+s17+$0x0] =	vst.idx.add.f32.msk vm0, v58  }
0x127: {  	vm3 =	vlt.u32 v18, $0xC80;
	v16 =	vmul.f32 v39, v11;
	[tilespmem:v31+s17+$0x0] =	vst.idx.add.f32.msk vm10, v57;
	v57 =	vperm.xlane v48, v9  }
0x128: {  	v58 =	vadd.f32 v15, v10;
	v15 =	vmul.f32 v36, v11;
	vm0 =	vnez.u8 v20  }
0x129: {  	vm10 =	vne.s32 v30, v60;
	v13 =	vmul.f32 v14, v11;
	v14 =	vld [tilespmem:s31+$0xFFFFFFF0];
	vm0 =	vmand vm0, vm14  }
0x12a: {  	v23 =	vmul.f32 v59, v11;
	v16 =	vadd.f32 v16, v10;
	vm1 =	vlt.u32 v57, $0xC80;
	[tilespmem:v19+s17+$0x0] =	vst.idx.add.f32.msk vm9, v63  }
0x12b: {  	vm2 =	vne.s32 v48, v57;
	v59 =	vadd.f32 v28, v10;
	v19 =	vld [tilespmem:s29+$0xFFFFFF90];
	v20 =	vmul.f32 v42, v11  }
0x12c: {  	vm4 =	vmor vm2, vm13;
	vm6 =	vmand vm2, vm1;
	v23 =	vadd.f32 v23, v10  }
0x12d: {  	vm2 =	vlt.u32 v48, $0xC80;
	v63 =	vld [tilespmem:s31+$0xFFFFFFC0];
	v21 =	vadd.f32 v20, v10;
	v20 =	vperm.xlane v18, v9  }
0x12e: {  	[tilespmem:v25+s17+$0x0] =	vst.idx.add.f32.msk vm7, v61;
	vm9 =	vmand vm2, vm4;
	(xrf2) =	vadd.scan.msk.f32 $0xffff, v23;
	v29 =	vsub.s32 v14, v1  }
0x12f: {  	vm1 =	vlt.u32 v20, $0xC80;
	vm7 =	vne.s32 v18, v20;
	[tilespmem:v24+s17+$0x0] =	vst.idx.add.f32.msk vm0, v22;
	v22, _, _ =	vpop (xrf2);
	(xrf2) =	vadd.scan.msk.f32 $0xffff, v21  }
0x130: {  	v19 =	vmul.f32 v19, v11;
	v27 =	vperm.xlane v29, v9;
	vm8 =	vmand vm7, vm1;
	v28, _, _ =	vpop (xrf2);
	(xrf2) =	vadd.scan.msk.f32 $0xffff, v26  }
0x131: {  	v33 =	vld [tilespmem:s31+$0xFFFFFF90];
	vm1 =	vmor vm10, vm13;
	v21 =	vadd.f32 v13, v10;
	v13 =	vperm.xlane v54, v9  }
0x132: {  	v37 =	vsub.s32 v63, v1;
	v23 =	vadd.f32 v19, v10;
	v19 =	vld [tilespmem:s31+$0x10];
	vm1 =	vmand vm5, vm1;
	v26, _, _ =	vpop (xrf2);
	(xrf2) =	vadd.scan.msk.f32 $0xffff, v16  }
0x133: {  	v40 =	vld [tilespmem:s31+$0xFFFFFFB0];
	vm5 =	vmand vm10, vm12;
	vm12 =	vmand vm6, vm14;
	vm2 =	vne.s32 v54, v13  }
0x134: {  	v34 =	vld [tilespmem:s31+$0x0];
	vm0 =	vlt.u32 v54, $0xC80;
	vm10 =	vmand vm5, vm14;
	vm11 =	vmor vm2, vm13  }
0x135: {  	v31 =	vld [tilespmem:s31+$0xFFFFFFE0];
	v35 =	vperm.xlane v37, v9;
	v24 =	vadd.f32 v15, v10;
	vm0 =	vmand vm0, vm11  }
0x136: {  	s30 =	sadd.s32 $0x10, s30;
	v39 =	vld [tilespmem:s31+$0xFFFFFFA0];
	vm5 =	vmor vm7, vm13;
	vm7 =	vne.s32 v29, v27;
	v61 =	vsub.f32 $0.0e+00, v22  }
0x137: {  	p0 =	slt.u32 s30, $0x310;
	v14 =	vsub.s32 v19, v1;
	vm6 =	vmand vm3, vm5;
	v62 =	vsub.f32 $0.0e+00, v26;
	[tilespmem:v48+s17+$0x0] =	vst.idx.add.f32.msk vm9, v26  }
.Ltmp9:
0x138: {  	vm5 =	vmand vm8, vm14;
	vm8 =	vlt.u32 v27, $0xC80;
	v25 =	vsub.f32 $0.0e+00, v28;
	v15, _, _ =	vpop (xrf2);
	[tilespmem:v30+s17+$0x0] =	vst.idx.add.f32.msk vm1, v22;
	(pc) =	sbr.rel @p0 .LBB2_13-.Ltmp9, $4  }
0x139: {  	vm4 =	vlt.u32 v13, $0xC80;
	v16 =	vperm.xlane v14, v9;
	(xrf2) =	vadd.scan.msk.f32 $0xffff, v56;
	[tilespmem:v57+s17+$0x0] =	vst.idx.add.f32.msk vm12, v62;
	v38, _, _ =	vpop (xrf2)  }
0x13a: {  	vm9 =	vlt.u32 v37, $0xC80;
	vm11 =	vlt.u32 v29, $0xC80;
	vm1 =	vmor vm7, vm13;
	[tilespmem:v60+s17+$0x0] =	vst.idx.add.f32.msk vm10, v61;
	v19, _, _ =	vpop (xrf2)  }
0x13b: {  	vm3 =	vmand vm11, vm1;
	(xrf2) =	vadd.scan.msk.f32 $0xffff, v59;
	[tilespmem:v54+s17+$0x0] =	vst.idx.add.f32.msk vm0, v19;
	vm0 =	vne.s32 v37, v35  }
0x13c: {  	s28 =	smov.u32 s31;
	v26 =	vld [tilespmem:s31+$0xFFFFFFD0];
	s31 =	sadd.s32 $0x100, s31;
	vm11 =	vlt.u32 v35, $0xC80;
	(xrf2) =	vadd.scan.msk.f32 $0xffff, v58;
	v36 =	vsub.f32 $0.0e+00, v38;
	v22, _, _ =	vpop (xrf2);
	vm1 =	vmor vm0, vm13  }
0x13d: {  	vm10 =	vmand vm9, vm1;
	vm0 =	vmand vm0, vm11;
	v30 =	vsub.s32 v40, v1  }
0x13e: {  	vm2 =	vmand vm2, vm4;
	v55 =	vimm.s32 $0x0;
	v39 =	vsub.s32 v39, v1  }
0x13f: {  	v34 =	vsub.s32 v34, v1;
	vm4 =	vcmask $0x3F3C;
	v56 =	vperm.xlane v30, v9  }
0x140: {  	v44 =	vimm.s32 $0x0;
	v31 =	vsub.s32 v31, v1;
	v47 =	vimm.s32 $0x0  }
0x141: {  	(xrf2) =	vadd.scan.msk.f32 $0xffff, v32;
	v32 =	vsel vm2, $0xFFFFFFFF, v55;
	vm9 =	vlt.u32 v39, $0xC80;
	vm1 =	vne.s32 v30, v56  }
0x142: {  	[tilespmem:$0x1FED0] =	vst v32;
	v44 =	vsel vm9, $0xFFFFFFFF, v44;
	vm13 =	vmor vm1, vm4;
	vm4 =	vlt.u32 v31, $0xC80  }
0x143: {  	vm7 =	vmand vm7, vm8;
	v42 =	vperm.xlane v34, v9;
	v41 =	vld [tilespmem:s28+$0xFFFFFF80];
	[tilespmem:$0x1FEF0] =	vst v44;
	v47 =	vsel vm4, $0xFFFFFFFF, v47  }
0x144: {  	v33 =	vsub.s32 v33, v1;
	vm11 =	vmand vm0, vm14;
	vm8 =	vmand vm7, vm14;
	[tilespmem:$0x1FEE0] =	vst v47  }
0x145: {  	vm7 =	vlt.u32 v56, $0xC80;
	vm15 =	vne.s32 v34, v42;
	[tilespmem:v18+s17+$0x0] =	vst.idx.add.f32.msk vm6, v28;
	vm6 =	vcmask $0x3F3C  }
0x146: {  	vm12 =	vlt.u32 v34, $0xC80;
	vm14 =	vmand vm1, vm7;
	v57, _, _ =	vpop (xrf2);
	vm1 =	vmor vm15, vm6;
	v61 =	vld [tilespmem:$0x1FFF0]  }
0x147: {  	v62 =	vperm.xlane v12, v9;
	vm0 =	vlt.u32 v30, $0xC80;
	v43, _, _ =	vpop (xrf2);
	[tilespmem:v20+s17+$0x0] =	vst.idx.add.f32.msk vm5, v25;
	vm2 =	vmand vm12, vm1  }
0x148: {  	v63 =	vperm.xlane v33, v9;
	vm13 =	vmand vm0, vm13;
	[tilespmem:v29+s17+$0x0] =	vst.idx.add.f32.msk vm3, v38;
	v58 =	vsub.f32 $0.0e+00, v43  }
0x149: {  	vm4 =	vcmask $0x3F3C;
	vm6 =	vlt.u32 v42, $0xC80;
	(xrf2) =	vadd.scan.msk.f32 $0xffff, v24;
	[tilespmem:v37+s17+$0x0] =	vst.idx.add.f32.msk vm10, v43  }
0x14a: {  	v41 =	vsub.s32 v41, v1;
	vm5 =	vlt.u32 v33, $0xC80;
	(xrf2) =	vadd.scan.msk.f32 $0xffff, v23;
	[tilespmem:v35+s17+$0x0] =	vst.idx.add.f32.msk vm11, v58  }
0x14b: {  	vm3 =	vne.s32 v33, v63;
	vm6 =	vmand vm15, vm6;
	v43 =	vld [tilespmem:$0x1FFF0];
	vm9 =	vnez.u8 v61  }
0x14c: {  	vm1 =	vne.s32 v12, v62;
	vm15 =	vlt.u32 v12, $0xC80;
	[tilespmem:v27+s17+$0x0] =	vst.idx.add.f32.msk vm8, v36;
	vm12 =	vmand vm14, vm9  }
0x14d: {  	v46, _, _ =	vpop (xrf2);
	vm10 =	vmor vm1, vm4;
	vm4 =	vcmask $0x3F3C;
	vm9 =	vlt.u32 v63, $0xC80;
	[tilespmem:v34+s17+$0x0] =	vst.idx.add.f32.msk vm2, v57  }
0x14e: {  	v59, _, _ =	vpop (xrf2);
	vm10 =	vmand vm15, vm10;
	vm0 =	vmand vm3, vm9;
	vm3 =	vmor vm3, vm4;
	v44 =	vld [tilespmem:$0x1FFF0]  }
0x14f: {  	v38 =	vperm.xlane v41, v9;
	vm11 =	vmand vm5, vm3;
	[tilespmem:v30+s17+$0x0] =	vst.idx.add.f32.msk vm13, v59  }
0x150: {  	v60 =	vsub.f32 $0.0e+00, v59;
	vm14 =	vlt.u32 v62, $0xC80;
	vm9 =	vnez.u8 v43;
	v48 =	vld [tilespmem:$0x1FFF0]  }
0x151: {  	v52 =	vsub.f32 $0.0e+00, v22;
	vm1 =	vmand vm1, vm14;
	v49 =	vld [tilespmem:$0x1FED0];
	vm14 =	vmand vm0, vm9  }
0x152: {  	v45 =	vperm.xlane v39, v9;
	vm15 =	vcmask $0x3F3C;
	vm5 =	vne.s32 v41, v38;
	[tilespmem:v56+s17+$0x0] =	vst.idx.add.f32.msk vm12, v60  }
0x153: {  	vm4 =	vlt.u32 v41, $0xC80;
	vm15 =	vmor vm5, vm15;
	v47, _, _ =	vpop (xrf2);
	vm9 =	vnez.u8 v44;
	v24 =	vld [tilespmem:$0x1FEE0]  }
0x154: {  	v26 =	vsub.s32 v26, v1;
	vm0 =	vmand vm4, vm15;
	v50, _, _ =	vpop (xrf2);
	[tilespmem:v12+s17+$0x0] =	vst.idx.add.f32.msk vm10, v22;
	vm15 =	vmand vm1, vm9  }
0x155: {  	v18 =	vperm.xlane v31, v9;
	(xrf2) =	vadd.scan.msk.f32 $0xffff, v21;
	v51 =	vsub.f32 $0.0e+00, v50;
	[tilespmem:v33+s17+$0x0] =	vst.idx.add.f32.msk vm11, v50  }
0x156: {  	v54 =	vsub.f32 $0.0e+00, v19;
	vm7 =	vne.s32 v39, v45;
	v55 =	vperm.xlane v26, v9;
	(xrf2) =	vadd.scan.msk.f32 $0xffff, v17;
	v53 =	vld [tilespmem:$0x1FFF0]  }
0x157: {  	vm8 =	vlt.u32 v16, $0xC80;
	vm2 =	vne.s32 v14, v16;
	vm3 =	vne.s32 v31, v18;
	[tilespmem:v63+s17+$0x0] =	vst.idx.add.f32.msk vm14, v51  }
0x158: {  	vm13 =	vcmask $0x3F3C;
	vm4 =	vnez.u8 v48;
	vm9 =	vnez.u8 v49;
	v12 =	vld [tilespmem:$0x1FFF0]  }
0x159: {  	vm8 =	vmand vm2, vm8;
	vm2 =	vmor vm2, vm13;
	vm4 =	vmand vm9, vm4  }
0x15a: {  	v56 =	vsub.f32 $0.0e+00, v57;
	vm1 =	vmor vm3, vm13;
	vm9 =	vnez.u8 v24;
	[tilespmem:v62+s17+$0x0] =	vst.idx.add.f32.msk vm15, v52  }
0x15b: {  	vm10 =	vlt.u32 v45, $0xC80;
	vm9 =	vmand vm9, vm1;
	vm1 =	vlt.u32 v14, $0xC80;
	v58 =	vld [tilespmem:$0x1FEF0]  }
0x15c: {  	vm1 =	vmand vm1, vm2;
	vm2 =	vmand vm7, vm10;
	vm10 =	vnez.u8 v53  }
0x15d: {  	vm6 =	vmand vm6, vm10;
	vm10 =	vlt.u32 v18, $0xC80;
	vm14 =	vnez.u8 v12  }
0x15e: {  	vm11 =	vlt.u32 v38, $0xC80;
	vm3 =	vmand vm3, vm10;
	vm8 =	vmand vm8, vm14  }
0x15f: {  	v57, _, _ =	vpop (xrf2);
	vm5 =	vmand vm5, vm11;
	vm7 =	vmor vm7, vm13;
	[tilespmem:v13+s17+$0x0] =	vst.idx.add.f32.msk vm4, v54;
	vm3 =	vmand vm3, vm14  }
0x160: {  	v59, _, _ =	vpop (xrf2);
	vm4 =	vne.s32 v26, v55;
	[tilespmem:v41+s17+$0x0] =	vst.idx.add.f32.msk vm0, v57;
	vm11 =	vmand vm5, vm14;
	vm12 =	vnez.u8 v58  }
0x161: {  	v60 =	vsub.f32 $0.0e+00, v15;
	vm0 =	vmor vm4, vm13;
	[tilespmem:v31+s17+$0x0] =	vst.idx.add.f32.msk vm9, v59;
	vm7 =	vmand vm12, vm7  }
0x162: {  	vm10 =	vlt.u32 v55, $0xC80;
	vm2 =	vmand vm2, vm14;
	[tilespmem:v14+s17+$0x0] =	vst.idx.add.f32.msk vm1, v15;
	vm12 =	vlt.u32 v26, $0xC80  }
0x163: {  	v12 =	vsub.f32 $0.0e+00, v59;
	vm4 =	vmand vm4, vm10;
	[tilespmem:v42+s17+$0x0] =	vst.idx.add.f32.msk vm6, v56;
	vm0 =	vmand vm12, vm0  }
0x164: {  	v62 =	vsub.f32 $0.0e+00, v57;
	vm4 =	vmand vm4, vm14;
	[tilespmem:v16+s17+$0x0] =	vst.idx.add.f32.msk vm8, v60  }
0x165: {  	s26 =	sadd.s32 $0x2, s26;
	[tilespmem:v18+s17+$0x0] =	vst.idx.add.f32.msk vm3, v12  }
0x166: {  	p0 =	sge.s32 s26, s23;
	v61 =	vsub.f32 $0.0e+00, v47;
	[tilespmem:v38+s17+$0x0] =	vst.idx.add.f32.msk vm11, v62  }
0x167: {  	s26 =	smul.u32 @!p0 $0x3200, s26;
	[tilespmem:v39+s17+$0x0] =	vst.idx.add.f32.msk vm7, v47  }
0x168: {  	v63 =	vsub.f32 $0.0e+00, v46;
	[tilespmem:v45+s17+$0x0] =	vst.idx.add.f32.msk vm2, v61  }
.Ltmp10:
0x169: {  	s26 =	sshrl.u32 @!p0 s26, $0x3;
	[tilespmem:v26+s17+$0x0] =	vst.idx.add.f32.msk vm0, v46;
	(pc) =	sbr.rel .LBB2_15-.Ltmp10, $4  }
0x16a: {  	s29 =	simm.s32 @!p0 $0x0;
	s30 =	simm.s32 @!p0 $0x4400;
	s28 =	sadd.s32 @!p0 s2, s26;
	[tilespmem:v55+s17+$0x0] =	vst.idx.add.f32.msk vm4, v63  }
0x16b: {  	[tilespmem:s30], [sflag:$0x3] =	stream.linear.gather @!p0 [hbm4b:s28+s29], $0x3200, $0x38;
	[tilespmem:$0xE700] =	vst v63  }
0x16c: {  	s26 =	sadd.s32 @!p0 s0, s26;
	s28 =	simm.s32 @!p0 $0xA800  }
0x16d: {  	[tilespmem:s28], [sflag:$0x4] =	stream.linear.gather @!p0 [hbm4b:s26+s29], $0x3200, $0x38;
	[tilespmem:$0xE700] =	vst v63  }
.LBB2_9:
0x16e: {  	_ =	swait.ge [sflag:s14], $0x3200  }
0x16f: {  	[sflag:s14] =	ssyncset.done $0x0  }
0x170: {  	[sflag:s14] =	ssyncadd.s32 $0xFFFFCE00  }
0x171: {  	_ =	swait.ge [sflag:s18], $0x3200  }
0x172: {  	[sflag:s18] =	ssyncset.done $0x0  }
0x173: {  	s29 =	simm.s32 $0x7680;
	[sflag:s18] =	ssyncadd.s32 $0xFFFFCE00  }
0x174: {  	s28 =	simm.s32 $0x1280;
	v12 =	vld [tilespmem:s29+$0x70]  }
0x175: {  	v13 =	vld [tilespmem:s28+$0x70]  }
0x176: {  	v14 =	vld [tilespmem:s28+$0x50]  }
0x177: {  	v15 =	vld [tilespmem:s28+$0x20]  }
0x178: {  	v16 =	vld [tilespmem:s29+$0x40]  }
0x179: {  	v19 =	vld [tilespmem:s28+$0x60]  }
0x17a: {  	v18 =	vld [tilespmem:s29+$0x50]  }
0x17b: {  	v22 =	vld [tilespmem:s28+$0x40]  }
0x17c: {  	v23 =	vld [tilespmem:s29+$0x20]  }
0x17d: {  	v25 =	vld [tilespmem:s29+$0xFFFFFFE0];
	v12 =	vmul.f32 v12, v11  }
0x17e: {  	v37 =	vld [tilespmem:s28+$0xFFFFFFC0]  }
0x17f: {  	v12 =	vadd.f32 v12, v10  }
0x180: {  	v17 =	vld [tilespmem:s28+$0x30];
	v13 =	vsub.s32 v13, v1;
	v28 =	vmul.f32 v18, v11;
	v16 =	vmul.f32 v16, v11  }
0x181: {  	v14 =	vsub.s32 v14, v1;
	v18 =	vsub.s32 v22, v1;
	v19 =	vsub.s32 v19, v1;
	(xrf2) =	vadd.scan.msk.f32 $0xffff, v12;
	v12 =	vld [tilespmem:s29+$0x60]  }
0x182: {  	v20 =	vld [tilespmem:s29+$0x30];
	v36 =	vsub.s32 v15, v1;
	v15 =	vmul.f32 v23, v11;
	v21 =	vperm.xlane v13, v9  }
0x183: {  	v27 =	vld [tilespmem:s29+$0x10];
	v25 =	vmul.f32 v25, v11;
	v37 =	vsub.s32 v37, v1;
	vm4 =	vlt.u32 v19, $0xC80  }
0x184: {  	vm3 =	vlt.u32 v18, $0xC80;
	v22 =	vadd.f32 v28, v10;
	v28 =	vld [tilespmem:s29+$0xFFFFFFD0];
	vm0 =	vne.s32 v13, v21  }
0x185: {  	v29 =	vld [tilespmem:s29+$0x0];
	v41 =	vperm.xlane v14, v9;
	vm1 =	vlt.u32 v21, $0xC80;
	vm2 =	vmor vm0, vm13  }
0x186: {  	v31 =	vld [tilespmem:s29+$0xFFFFFFF0];
	vm1 =	vmand vm0, vm1;
	vm0 =	vlt.u32 v13, $0xC80;
	v12 =	vmul.f32 v12, v11  }
0x187: {  	v32 =	vld [tilespmem:s29+$0xFFFFFFC0];
	v16 =	vadd.f32 v16, v10;
	v15 =	vadd.f32 v15, v10;
	vm0 =	vmand vm0, vm2  }
0x188: {  	v33 =	vld [tilespmem:s29+$0xFFFFFFA0];
	v30 =	vadd.f32 v12, v10;
	v12 =	vsub.s32 v17, v1;
	v17 =	vmul.f32 v20, v11  }
0x189: {  	v23 =	vld [tilespmem:s29+$0xFFFFFFB0];
	vm1 =	vmand vm1, vm14;
	v28 =	vmul.f32 v28, v11;
	v20 =	vmul.f32 v27, v11  }
0x18a: {  	vm2 =	vlt.u32 v41, $0xC80;
	v27 =	vadd.f32 v17, v10;
	v17 =	vmul.f32 v29, v11  }
0x18b: {  	v42 =	vadd.f32 v28, v10;
	(xrf2) =	vadd.scan.msk.f32 $0xffff, v30;
	v29 =	vadd.f32 v20, v10;
	v20 =	vperm.xlane v18, v9;
	v24, _, _ =	vpop (xrf2)  }
0x18c: {  	v30 =	vld [tilespmem:s29+$0xFFFFFF90];
	(xrf2) =	vadd.scan.msk.f32 $0xffff, v16;
	v16 =	vmul.f32 v31, v11;
	v26 =	vsub.f32 $0.0e+00, v24;
	v35 =	vadd.f32 v17, v10  }
0x18d: {  	(xrf2) =	vadd.scan.msk.f32 $0xffff, v22;
	v22 =	vmul.f32 v32, v11;
	v17 =	vadd.f32 v25, v10;
	[tilespmem:v13+s17+$0x0] =	vst.idx.add.f32.msk vm0, v24  }
0x18e: {  	v31 =	vld [tilespmem:s29+$0xFFFFFF80];
	v13 =	vmul.f32 v23, v11;
	vm0 =	vne.s32 v14, v41;
	v24 =	vmul.f32 v33, v11  }
0x18f: {  	v16 =	vadd.f32 v16, v10;
	vm6 =	vmor vm0, vm13;
	vm5 =	vmand vm0, vm2  }
0x190: {  	(xrf2) =	vadd.scan.msk.f32 $0xffff, v29;
	vm0 =	vlt.u32 v36, $0xC80;
	vm2 =	vlt.u32 v20, $0xC80;
	v22 =	vadd.f32 v22, v10  }
0x191: {  	[tilespmem:v21+s17+$0x0] =	vst.idx.add.f32.msk vm1, v26;
	v32 =	vadd.f32 v13, v10;
	vm1 =	vlt.u32 v14, $0xC80;
	v13 =	vperm.xlane v36, v9  }
0x192: {  	v24 =	vadd.f32 v24, v10;
	v23 =	vmul.f32 v30, v11;
	v30 =	vperm.xlane v19, v9;
	(xrf2) =	vadd.scan.msk.f32 $0xffff, v16  }
0x193: {  	v34 =	vld [tilespmem:s28+$0x0];
	vm1 =	vmand vm1, vm6;
	vm6 =	vne.s32 v18, v20;
	v21 =	vmul.f32 v31, v11;
	(xrf2) =	vadd.scan.msk.f32 $0xffff, v15  }
0x194: {  	v16 =	vld [tilespmem:s28+$0xFFFFFFF0];
	vm8 =	vmand vm6, vm2;
	vm2 =	vne.s32 v36, v13;
	vm7 =	vne.s32 v19, v30  }
0x195: {  	v40 =	vld [tilespmem:s28+$0xFFFFFFB0];
	v23 =	vadd.f32 v23, v10;
	vm10 =	vmor vm2, vm13;
	vm9 =	vmor vm7, vm13;
	v43, _, _ =	vpop (xrf2);
	(xrf2) =	vadd.scan.msk.f32 $0xffff, v27  }
0x196: {  	v15 =	vld [tilespmem:s28+$0x10];
	vm11 =	vlt.u32 v30, $0xC80;
	v21 =	vadd.f32 v21, v10;
	vm9 =	vmand vm4, vm9  }
0x197: {  	v39 =	vld [tilespmem:s28+$0xFFFFFFA0];
	vm0 =	vmand vm0, vm10;
	vm10 =	vmand vm5, vm14;
	vm5 =	vmor vm6, vm13;
	v28, _, _ =	vpop (xrf2)  }
0x198: {  	v33 =	vld [tilespmem:s28+$0xFFFFFF90];
	vm4 =	vmand vm7, vm11;
	vm6 =	vmand vm3, vm5;
	vm5 =	vmand vm8, vm14;
	v26, _, _ =	vpop (xrf2)  }
0x199: {  	v29 =	vsub.s32 v16, v1;
	v44 =	vsub.f32 $0.0e+00, v43;
	[tilespmem:v14+s17+$0x0] =	vst.idx.add.f32.msk vm1, v26;
	vm1 =	vmand vm4, vm14  }
0x19a: {  	v31 =	vld [tilespmem:s28+$0xFFFFFFE0];
	v27 =	vperm.xlane v29, v9;
	(xrf2) =	vadd.scan.msk.f32 $0xffff, v35;
	vm11 =	vlt.u32 v29, $0xC80;
	v35 =	vperm.xlane v37, v9  }
0x19b: {  	v25 =	vsub.f32 $0.0e+00, v28;
	(xrf2) =	vadd.scan.msk.f32 $0xffff, v22;
	v45 =	vsub.f32 $0.0e+00, v26;
	v14 =	vsub.s32 v15, v1;
	v26 =	vld [tilespmem:s28+$0xFFFFFFD0];
	v15, _, _ =	vpop (xrf2)  }
0x19c: {  	vm4 =	vlt.u32 v13, $0xC80;
	vm7 =	vne.s32 v29, v27;
	vm8 =	vlt.u32 v27, $0xC80;
	v38, _, _ =	vpop (xrf2);
	[tilespmem:v19+s17+$0x0] =	vst.idx.add.f32.msk vm9, v43  }
0x19d: {  	(xrf2) =	vadd.scan.msk.f32 $0xffff, v42;
	v16 =	vperm.xlane v14, v9;
	vm3 =	vmor vm7, vm13;
	[tilespmem:v41+s17+$0x0] =	vst.idx.add.f32.msk vm10, v45;
	v19, _, _ =	vpop (xrf2)  }
0x19e: {  	vm9 =	vlt.u32 v37, $0xC80;
	vm3 =	vmand vm11, vm3;
	[tilespmem:v36+s17+$0x0] =	vst.idx.add.f32.msk vm0, v19;
	vm0 =	vne.s32 v37, v35  }
0x19f: {  	s30 =	simm.s32 $0x0;
	s31 =	simm.s32 $0x1380;
	vm11 =	vlt.u32 v35, $0xC80;
	v36 =	vsub.f32 $0.0e+00, v38;
	[tilespmem:v30+s17+$0x0] =	vst.idx.add.f32.msk vm1, v44;
	vm1 =	vmor vm0, vm13;
	v22, _, _ =	vpop (xrf2)  }
.LBB2_10:
0x1a0: {  	v41 =	vld [tilespmem:s31+$0x70]  }
0x1a1: {  	[tilespmem:v18+s17+$0x0] =	vst.idx.add.f32.msk vm6, v28  }
0x1a2: {  	vm9 =	vmand vm9, vm1;
	vm0 =	vmand vm0, vm11;
	v42 =	vsub.s32 v40, v1;
	v18 =	vld [tilespmem:s31+$0x50]  }
0x1a3: {  	vm1 =	vmand vm7, vm8;
	vm2 =	vmand vm2, vm4;
	v52 =	vimm.s32 $0x0;
	v53 =	vld [tilespmem:s28+$0xFFFFFF80]  }
0x1a4: {  	v28 =	vsub.s32 v39, v1;
	v45 =	vsub.s32 v34, v1;
	[tilespmem:v29+s17+$0x0] =	vst.idx.add.f32.msk vm3, v38;
	v56 =	vimm.s32 $0x0  }
0x1a5: {  	v29 =	vld [tilespmem:s31+$0x20];
	v57 =	vimm.s32 $0x0;
	v58 =	vimm.s32 $0x0;
	v49 =	vperm.xlane v12, v9  }
0x1a6: {  	(xrf2) =	vadd.scan.msk.f32 $0xffff, v32;
	v60 =	vld [tilespmem:$0x1FFF0];
	v40 =	vsel vm2, $0xFFFFFFFF, v52;
	v43 =	vperm.xlane v42, v9;
	vm0 =	vmand vm0, vm14  }
0x1a7: {  	vm7 =	vmand vm1, vm14;
	vm10 =	vlt.u32 v42, $0xC80;
	[tilespmem:v20+s17+$0x0] =	vst.idx.add.f32.msk vm5, v25;
	vm8 =	vlt.u32 v45, $0xC80  }
0x1a8: {  	v61 =	vld [tilespmem:$0x1FFF0];
	v32 =	vperm.xlane v45, v9;
	vm4 =	vlt.u32 v28, $0xC80;
	v20 =	vimm.s32 $0x0;
	v44, _, _ =	vpop (xrf2);
	(xrf2) =	vadd.scan.msk.f32 $0xffff, v24  }
0x1a9: {  	s29 =	sadd.s32 $0x100, s29;
	v63 =	vld [tilespmem:$0x1FFF0];
	v20 =	vsel vm4, $0xFFFFFFFF, v20;
	vm3 =	vlt.u32 v49, $0xC80;
	v54, _, _ =	vpop (xrf2);
	(xrf2) =	vadd.scan.msk.f32 $0xffff, v23;
	v25 =	vsub.s32 v41, v1  }
0x1aa: {  	[tilespmem:$0x1FFB0] =	vst v20;
	v55 =	vsub.f32 $0.0e+00, v54;
	v23, _, _ =	vpop (xrf2);
	(xrf2) =	vadd.scan.msk.f32 $0xffff, v21;
	v21 =	vld [tilespmem:s29+$0x70];
	v24 =	vperm.xlane v25, v9  }
0x1ab: {  	vm1 =	vne.s32 v42, v43;
	vm2 =	vlt.u32 v43, $0xC80;
	v20 =	vperm.xlane v28, v9;
	[tilespmem:v37+s17+$0x0] =	vst.idx.add.f32.msk vm9, v54  }
0x1ac: {  	vm11 =	vmor vm1, vm13;
	vm1 =	vmand vm1, vm2;
	[tilespmem:v35+s17+$0x0] =	vst.idx.add.f32.msk vm0, v55;
	vm2 =	vne.s32 v25, v24  }
0x1ad: {  	v41 =	vsub.s32 v33, v1;
	[tilespmem:v27+s17+$0x0] =	vst.idx.add.f32.msk vm7, v36;
	vm6 =	vlt.u32 v24, $0xC80;
	vm0 =	vmor vm2, vm13  }
0x1ae: {  	v35 =	vsub.s32 v31, v1;
	v27 =	vld [tilespmem:$0x1FFF0];
	v33 =	vsel vm0, $0xFFFFFFFF, v56;
	vm0 =	vmand vm2, vm6  }
0x1af: {  	v30 =	vld [tilespmem:s29+$0x60];
	v31 =	vimm.s32 $0x0;
	[tilespmem:$0x1FFD0] =	vst v33;
	v33 =	vsel vm0, $0xFFFFFFFF, v57;
	vm0 =	vlt.u32 v35, $0xC80  }
0x1b0: {  	v39 =	vld [tilespmem:s29+$0x30];
	vm4 =	vlt.u32 v12, $0xC80;
	v31 =	vsel vm0, $0xFFFFFFFF, v31;
	vm0 =	vne.s32 v45, v32  }
0x1b1: {  	v38 =	vld [tilespmem:s29+$0x20];
	vm14 =	vne.s32 v28, v20;
	vm15 =	vlt.u32 v20, $0xC80;
	vm9 =	vmor vm0, vm13  }
0x1b2: {  	[tilespmem:$0x1FF90] =	vst v40;
	v34 =	vld [tilespmem:s29+$0x40];
	v50 =	vperm.xlane v41, v9;
	v59 =	vmul.f32 v21, v11;
	v46, _, _ =	vpop (xrf2);
	vm12 =	vmand vm8, vm9  }
0x1b3: {  	v51 =	vld [tilespmem:s31+$0x40];
	v47 =	vsub.f32 $0.0e+00, v46;
	vm2 =	vnez.u8 v27;
	[tilespmem:$0x1FFA0] =	vst v31;
	v31 =	vperm.xlane v35, v9  }
0x1b4: {  	v62 =	vld [tilespmem:$0x1FF90];
	vm13 =	vlt.u32 v32, $0xC80;
	vm6 =	vmand vm1, vm2;
	vm2 =	vne.s32 v12, v49  }
0x1b5: {  	v55 =	vld [tilespmem:s29+$0xFFFFFFE0];
	vm8 =	vmand vm0, vm13;
	vm0 =	vmand vm14, vm15;
	vm13 =	vmand vm10, vm11  }
0x1b6: {  	v21 =	vld [tilespmem:s29+$0xFFFFFFD0];
	vm1 =	vlt.u32 v50, $0xC80;
	v36 =	vsel vm0, $0xFFFFFFFF, v58;
	vm0 =	vcmask $0x3F3C  }
0x1b7: {  	[tilespmem:$0x1FFE0] =	vst v33;
	v33 =	vld [tilespmem:s31+$0x30];
	vm15 =	vlt.u32 v41, $0xC80;
	vm11 =	vmor vm14, vm0;
	vm0 =	vcmask $0x3F3C  }
0x1b8: {  	vm14 =	vne.s32 v41, v50;
	[tilespmem:v45+s17+$0x0] =	vst.idx.add.f32.msk vm12, v44;
	vm12 =	vmor vm2, vm0;
	vm0 =	vcmask $0x3F3C  }
0x1b9: {  	v27 =	vld [tilespmem:s31+$0x60];
	vm2 =	vmand vm2, vm3;
	vm0 =	vmor vm14, vm0;
	vm3 =	vmand vm4, vm12  }
0x1ba: {  	vm10 =	vne.s32 v35, v31;
	[tilespmem:$0x1FFC0] =	vst v36;
	v45 =	vld [tilespmem:s29+$0x50];
	vm15 =	vmand vm15, vm0;
	vm0 =	vcmask $0x3F3C  }
0x1bb: {  	vm1 =	vmand vm14, vm1;
	[tilespmem:v42+s17+$0x0] =	vst.idx.add.f32.msk vm13, v46;
	vm14 =	vmor vm10, vm0;
	vm0 =	vnez.u8 v60  }
0x1bc: {  	v26 =	vsub.s32 v26, v1;
	v48 =	vsub.s32 v53, v1;
	v40, _, _ =	vpop (xrf2);
	[tilespmem:v43+s17+$0x0] =	vst.idx.add.f32.msk vm6, v47;
	vm7 =	vmand vm1, vm0  }
0x1bd: {  	v52 =	vsub.f32 $0.0e+00, v44;
	v56 =	vperm.xlane v48, v9;
	v53, _, _ =	vpop (xrf2);
	vm6 =	vnez.u8 v62;
	v62 =	vld [tilespmem:$0x1FFC0]  }
0x1be: {  	v44 =	vsub.f32 $0.0e+00, v53;
	vm12 =	vne.s32 v14, v16;
	v60 =	vld [tilespmem:$0x1FFB0];
	vm0 =	vcmask $0x3F3C  }
0x1bf: {  	vm1 =	vlt.u32 v16, $0xC80;
	vm5 =	vmor vm12, vm0;
	vm0 =	vnez.u8 v61;
	[tilespmem:v12+s17+$0x0] =	vst.idx.add.f32.msk vm3, v22  }
0x1c0: {  	vm13 =	vmand vm12, vm1;
	vm12 =	vmand vm6, vm0;
	vm0 =	vnez.u8 v63;
	v12 =	vld [tilespmem:$0x1FFF0]  }
0x1c1: {  	vm9 =	vlt.u32 v31, $0xC80;
	v36 =	vadd.f32 v59, v10;
	vm2 =	vmand vm2, vm0;
	[tilespmem:v41+s17+$0x0] =	vst.idx.add.f32.msk vm15, v53  }
0x1c2: {  	vm1 =	vlt.u32 v56, $0xC80;
	vm6 =	vne.s32 v48, v56;
	vm0 =	vcmask $0x3F3C;
	[tilespmem:v50+s17+$0x0] =	vst.idx.add.f32.msk vm7, v44  }
0x1c3: {  	vm4 =	vlt.u32 v48, $0xC80;
	vm1 =	vmand vm6, vm1;
	vm0 =	vmor vm6, vm0;
	v50 =	vld [tilespmem:$0x1FFA0]  }
0x1c4: {  	(xrf2) =	vadd.scan.msk.f32 $0xffff, v17;
	v22 =	vsub.f32 $0.0e+00, v22;
	vm6 =	vlt.u32 v14, $0xC80;
	v53 =	vld [tilespmem:$0x1FFF0];
	vm3 =	vmand vm4, vm0  }
0x1c5: {  	v17 =	vld [tilespmem:s29+$0xFFFFFFC0];
	v54, _, _ =	vpop (xrf2);
	(xrf2) =	vadd.scan.msk.f32 $0xffff, v36;
	vm0 =	vnez.u8 v12;
	v12 =	vsub.f32 $0.0e+00, v19;
	v19 =	vperm.xlane v26, v9  }
0x1c6: {  	v58 =	vsub.f32 $0.0e+00, v15;
	v59 =	vld [tilespmem:s29+$0x10];
	v43 =	vsub.f32 $0.0e+00, v54;
	vm5 =	vmand vm6, vm5  }
0x1c7: {  	vm4 =	vmand vm1, vm0;
	[tilespmem:v49+s17+$0x0] =	vst.idx.add.f32.msk vm2, v22;
	vm2 =	vnez.u8 v62;
	vm6 =	vlt.u32 v19, $0xC80  }
0x1c8: {  	[tilespmem:v13+s17+$0x0] =	vst.idx.add.f32.msk vm12, v12;
	v12 =	vmul.f32 v30, v11;
	v30 =	vmul.f32 v45, v11;
	vm0 =	vnez.u8 v50  }
0x1c9: {  	v36 =	vld [tilespmem:s29+$0xFFFFFFA0];
	vm7 =	vmand vm0, vm14;
	vm14 =	vnez.u8 v53;
	vm0 =	vnez.u8 v60  }
0x1ca: {  	v42 =	vld [tilespmem:s29+$0xFFFFFFF0];
	v53 =	vmul.f32 v34, v11;
	vm1 =	vmand vm0, vm11;
	vm0 =	vmand vm10, vm9  }
0x1cb: {  	v47 =	vld [tilespmem:s29+$0x0];
	vm11 =	vmand vm8, vm14;
	vm8 =	vmand vm2, vm14;
	vm2 =	vne.s32 v26, v19  }
0x1cc: {  	v13 =	vld [tilespmem:s29+$0xFFFFFFB0];
	vm10 =	vmand vm0, vm14;
	vm0 =	vmand vm13, vm14;
	vm13 =	vcmask $0x3F3C  }
0x1cd: {  	[tilespmem:v48+s17+$0x0] =	vst.idx.add.f32.msk vm3, v54;
	v12 =	vadd.f32 v12, v10;
	vm9 =	vlt.u32 v26, $0xC80;
	vm3 =	vmor vm2, vm13  }
0x1ce: {  	v46, _, _ =	vpop (xrf2);
	[tilespmem:v14+s17+$0x0] =	vst.idx.add.f32.msk vm5, v15;
	v15 =	vadd.f32 v53, v10;
	vm2 =	vmand vm2, vm6;
	vm6 =	vmand vm9, vm3  }
0x1cf: {  	v61, _, _ =	vpop (xrf2);
	v48 =	vsub.s32 v18, v1;
	v18 =	vld [tilespmem:$0x1FFD0];
	v14 =	vadd.f32 v30, v10;
	(xrf2) =	vadd.scan.msk.f32 $0xffff, v12  }
0x1d0: {  	v37 =	vsub.f32 $0.0e+00, v40;
	[tilespmem:v56+s17+$0x0] =	vst.idx.add.f32.msk vm4, v43;
	(xrf2) =	vadd.scan.msk.f32 $0xffff, v15  }
0x1d1: {  	v57 =	vsub.f32 $0.0e+00, v46;
	v54 =	vsub.s32 v29, v1;
	v30 =	vsub.s32 v27, v1;
	(xrf2) =	vadd.scan.msk.f32 $0xffff, v14;
	v14 =	vld [tilespmem:s29+$0xFFFFFF80]  }
0x1d2: {  	v63 =	vsub.f32 $0.0e+00, v23;
	v27 =	vmul.f32 v55, v11;
	v60 =	vperm.xlane v30, v9;
	[tilespmem:v28+s17+$0x0] =	vst.idx.add.f32.msk vm1, v40  }
0x1d3: {  	v22 =	vsub.f32 $0.0e+00, v61;
	v12 =	vsub.s32 v33, v1;
	[tilespmem:v20+s17+$0x0] =	vst.idx.add.f32.msk vm8, v37;
	v20 =	vmul.f32 v38, v11  }
0x1d4: {  	vm5 =	vlt.u32 v30, $0xC80;
	v13 =	vmul.f32 v13, v11;
	v15 =	vmul.f32 v47, v11;
	[tilespmem:v26+s17+$0x0] =	vst.idx.add.f32.msk vm6, v23  }
0x1d5: {  	vm12 =	vlt.u32 v60, $0xC80;
	vm9 =	vmand vm2, vm14;
	v26 =	vadd.f32 v20, v10;
	v20 =	vld [tilespmem:$0x1FFE0]  }
0x1d6: {  	vm2 =	vnez.u8 v18;
	v18 =	vsub.s32 v51, v1;
	[tilespmem:v35+s17+$0x0] =	vst.idx.add.f32.msk vm7, v46;
	v56 =	vadd.f32 v15, v10  }
0x1d7: {  	vm3 =	vlt.u32 v25, $0xC80;
	v15 =	vmul.f32 v21, v11;
	[tilespmem:v32+s17+$0x0] =	vst.idx.add.f32.msk vm11, v52;
	v28 =	vmul.f32 v17, v11  }
0x1d8: {  	vm7 =	vmand vm3, vm2;
	v17 =	vadd.f32 v27, v10;
	v32 =	vadd.f32 v13, v10;
	[tilespmem:v16+s17+$0x0] =	vst.idx.add.f32.msk vm0, v58  }
0x1d9: {  	vm3 =	vlt.u32 v18, $0xC80;
	v16 =	vmul.f32 v39, v11;
	[tilespmem:v31+s17+$0x0] =	vst.idx.add.f32.msk vm10, v57;
	v57 =	vperm.xlane v48, v9  }
0x1da: {  	v58 =	vadd.f32 v15, v10;
	v15 =	vmul.f32 v36, v11;
	vm0 =	vnez.u8 v20  }
0x1db: {  	vm10 =	vne.s32 v30, v60;
	v13 =	vmul.f32 v14, v11;
	v14 =	vld [tilespmem:s31+$0xFFFFFFF0];
	vm0 =	vmand vm0, vm14  }
0x1dc: {  	v23 =	vmul.f32 v59, v11;
	v16 =	vadd.f32 v16, v10;
	vm1 =	vlt.u32 v57, $0xC80;
	[tilespmem:v19+s17+$0x0] =	vst.idx.add.f32.msk vm9, v63  }
0x1dd: {  	vm2 =	vne.s32 v48, v57;
	v59 =	vadd.f32 v28, v10;
	v19 =	vld [tilespmem:s29+$0xFFFFFF90];
	v20 =	vmul.f32 v42, v11  }
0x1de: {  	vm4 =	vmor vm2, vm13;
	vm6 =	vmand vm2, vm1;
	v23 =	vadd.f32 v23, v10  }
0x1df: {  	vm2 =	vlt.u32 v48, $0xC80;
	v63 =	vld [tilespmem:s31+$0xFFFFFFC0];
	v21 =	vadd.f32 v20, v10;
	v20 =	vperm.xlane v18, v9  }
0x1e0: {  	[tilespmem:v25+s17+$0x0] =	vst.idx.add.f32.msk vm7, v61;
	vm9 =	vmand vm2, vm4;
	(xrf2) =	vadd.scan.msk.f32 $0xffff, v23;
	v29 =	vsub.s32 v14, v1  }
0x1e1: {  	vm1 =	vlt.u32 v20, $0xC80;
	vm7 =	vne.s32 v18, v20;
	[tilespmem:v24+s17+$0x0] =	vst.idx.add.f32.msk vm0, v22;
	v22, _, _ =	vpop (xrf2);
	(xrf2) =	vadd.scan.msk.f32 $0xffff, v21  }
0x1e2: {  	v19 =	vmul.f32 v19, v11;
	v27 =	vperm.xlane v29, v9;
	vm8 =	vmand vm7, vm1;
	v28, _, _ =	vpop (xrf2);
	(xrf2) =	vadd.scan.msk.f32 $0xffff, v26  }
0x1e3: {  	v33 =	vld [tilespmem:s31+$0xFFFFFF90];
	vm1 =	vmor vm10, vm13;
	v21 =	vadd.f32 v13, v10;
	v13 =	vperm.xlane v54, v9  }
0x1e4: {  	v37 =	vsub.s32 v63, v1;
	v23 =	vadd.f32 v19, v10;
	v19 =	vld [tilespmem:s31+$0x10];
	vm1 =	vmand vm5, vm1;
	v26, _, _ =	vpop (xrf2);
	(xrf2) =	vadd.scan.msk.f32 $0xffff, v16  }
0x1e5: {  	v40 =	vld [tilespmem:s31+$0xFFFFFFB0];
	vm5 =	vmand vm10, vm12;
	vm12 =	vmand vm6, vm14;
	vm2 =	vne.s32 v54, v13  }
0x1e6: {  	v34 =	vld [tilespmem:s31+$0x0];
	vm0 =	vlt.u32 v54, $0xC80;
	vm10 =	vmand vm5, vm14;
	vm11 =	vmor vm2, vm13  }
0x1e7: {  	v31 =	vld [tilespmem:s31+$0xFFFFFFE0];
	v35 =	vperm.xlane v37, v9;
	v24 =	vadd.f32 v15, v10;
	vm0 =	vmand vm0, vm11  }
0x1e8: {  	s30 =	sadd.s32 $0x10, s30;
	v39 =	vld [tilespmem:s31+$0xFFFFFFA0];
	vm5 =	vmor vm7, vm13;
	vm7 =	vne.s32 v29, v27;
	v61 =	vsub.f32 $0.0e+00, v22  }
0x1e9: {  	p0 =	slt.u32 s30, $0x310;
	v14 =	vsub.s32 v19, v1;
	vm6 =	vmand vm3, vm5;
	v62 =	vsub.f32 $0.0e+00, v26;
	[tilespmem:v48+s17+$0x0] =	vst.idx.add.f32.msk vm9, v26  }
.Ltmp11:
0x1ea: {  	vm5 =	vmand vm8, vm14;
	vm8 =	vlt.u32 v27, $0xC80;
	v25 =	vsub.f32 $0.0e+00, v28;
	v15, _, _ =	vpop (xrf2);
	[tilespmem:v30+s17+$0x0] =	vst.idx.add.f32.msk vm1, v22;
	(pc) =	sbr.rel @p0 .LBB2_10-.Ltmp11, $4  }
0x1eb: {  	vm4 =	vlt.u32 v13, $0xC80;
	v16 =	vperm.xlane v14, v9;
	(xrf2) =	vadd.scan.msk.f32 $0xffff, v56;
	[tilespmem:v57+s17+$0x0] =	vst.idx.add.f32.msk vm12, v62;
	v38, _, _ =	vpop (xrf2)  }
0x1ec: {  	vm9 =	vlt.u32 v37, $0xC80;
	vm11 =	vlt.u32 v29, $0xC80;
	vm1 =	vmor vm7, vm13;
	[tilespmem:v60+s17+$0x0] =	vst.idx.add.f32.msk vm10, v61;
	v19, _, _ =	vpop (xrf2)  }
0x1ed: {  	vm3 =	vmand vm11, vm1;
	(xrf2) =	vadd.scan.msk.f32 $0xffff, v59;
	[tilespmem:v54+s17+$0x0] =	vst.idx.add.f32.msk vm0, v19;
	vm0 =	vne.s32 v37, v35  }
0x1ee: {  	s28 =	smov.u32 s31;
	v26 =	vld [tilespmem:s31+$0xFFFFFFD0];
	s31 =	sadd.s32 $0x100, s31;
	vm11 =	vlt.u32 v35, $0xC80;
	(xrf2) =	vadd.scan.msk.f32 $0xffff, v58;
	v36 =	vsub.f32 $0.0e+00, v38;
	v22, _, _ =	vpop (xrf2);
	vm1 =	vmor vm0, vm13  }
.Ltmp12:
0x1ef: {  	_ = 	snop;
	(pc) =	sbr.rel .LBB2_11-.Ltmp12, $1  }
0x1f0: {  	_ =	sdelay $0x3  }
.LBB2_17:
0x1f1: {  	_ =	sfence.sel $0x180000  }
0x1f2: {  	[bflag:$0x0] =	sbarrier.arrive $0xFFFF  }
0x1f3: {  	p0 =	sne.s32 s1, $0x0;
	_ =	strace $0x90000047  }
0x1f4: {  	s0 =	sadd.s32 @!p0 $0x100000, s4;
	[bflag:$0x2] =	sbarrier.arrive $0xFFFF  }
0x1f5: {  	[sflag:s0] =	ssyncadd.tile.s32 @!p0 $0x1;
	_ =	shalt  }
.Lfunc_end2:
_tile_overlayer_lowered:
.L_overlay_start_2:
0x1f6: {  	(tag) =	ssettag $0x2  }
0x1f7: {  	s0 =	rddreg [dreg:$0x0];
	s2 =	stileid.u32  }
0x1f8: {  	s1 =	rddreg [dreg:$0x1];
	p0 =	sne.s32 s2, $0x0  }
0x1f9: {  	s3 =	rddreg [dreg:$0x2];
	[bflag:$0x3] =	sbarrier.arrive $0xFFFF;
	s2 =	simm.s32 @!p0 $0x1C05  }
0x1fa: {  	[timem:s3], [sflag:s2] =	dma.local @!p0 [hbm:s0], s1  }
0x1fb: {  	s0 =	simm.s32 @!p0 $0x5  }
0x1fc: {  	_ =	swait.ge @!p0 [sflag:s0], s1  }
0x1fd: {  	s1 =	ssub.s32 @!p0 $0x0, s1;
	[sflag:s0] =	ssyncset.done @!p0 $0x0  }
0x1fe: {  	[sflag:s0] =	ssyncadd.s32 @!p0 s1  }
0x1ff: {  	[bflag:$0x3] =	sbarrier.arrive $0xFFFF  }
0x200: {  	_ =	shalt  }

</sc_bundles>
